<compile_context>
chip_gen: v7x
topology: tpu7x:2x2x1
jax: 0.10.2.dev20260603
libtpu: 0.0.44.dev20260713+nightly
codegen_flags: <defaults>
</compile_context>

<pallas_src>
import functools

import jax
import jax.numpy as jnp
from jax import lax
from jax.experimental import pallas as pl
from jax.experimental.pallas import tpu as pltpu
from jax.experimental.pallas import tpu_sc as plsc

_MAX_DET = 100
_IOU_THRESH = 0.5
_SCORE_THRESH = 0.05
_L = 16
_CAP = 128
_GATE = 112
_CH = 128
_NEG = -1e9


def _hmax16(w):
    m01 = jnp.maximum(w[0], w[1])
    m23 = jnp.maximum(w[2], w[3])
    m45 = jnp.maximum(w[4], w[5])
    m67 = jnp.maximum(w[6], w[7])
    m89 = jnp.maximum(w[8], w[9])
    mab = jnp.maximum(w[10], w[11])
    mcd = jnp.maximum(w[12], w[13])
    mef = jnp.maximum(w[14], w[15])
    return jnp.maximum(
        jnp.maximum(jnp.maximum(m01, m23), jnp.maximum(m45, m67)),
        jnp.maximum(jnp.maximum(m89, mab), jnp.maximum(mcd, mef)))


def _nms_body(nbuf, nch, p_hbm, out_hbm,
              p_v,
              sx1, sy1, sx2, sy2, sar, ssc,
              fx1, fy1, fx2, fy2, out_v, st):
    oord, ox1, oy1, ox2, oy2 = nbuf, 2 * nbuf, 3 * nbuf, 4 * nbuf, 5 * nbuf

    @pl.when((lax.axis_index("c") == 0) & (lax.axis_index("s") == 0))
    def _tile0():
        pltpu.sync_copy(p_hbm, p_v)

        lane = lax.iota(jnp.int32, _L)
        lane0 = lane == 0
        zeros = jnp.zeros((_L,), jnp.float32)

        def _sinit(c, _):
            sl = pl.ds(c * _L, _L)
            sx1[sl] = jnp.full((_L,), -4.0, jnp.float32)
            sy1[sl] = jnp.full((_L,), -4.0, jnp.float32)
            sx2[sl] = jnp.full((_L,), -2.0, jnp.float32)
            sy2[sl] = jnp.full((_L,), -2.0, jnp.float32)
            sar[sl] = jnp.full((_L,), 4.0, jnp.float32)
            ssc[sl] = jnp.full((_L,), _NEG, jnp.float32)
            return 0
        lax.fori_loop(0, _CAP // _L, _sinit, 0)

        st[0] = jnp.int32(0)
        st[1] = jnp.int32(0)
        st[2] = jnp.int32(0)

        def _chunk(b, _):
            @pl.when(st[2] == 0)
            def _run_chunk():
                def _cand(j, c):
                    kept, fc = c
                    i = b * _CH + j
                    sc = p_v[pl.ds(i, _L)][0]
                    idx = p_v[pl.ds(oord + i, _L)][0].astype(jnp.int32)
                    bx1 = p_v[pl.ds(ox1 + idx, _L)][0]
                    by1 = p_v[pl.ds(oy1 + idx, _L)][0]
                    bx2 = p_v[pl.ds(ox2 + idx, _L)][0]
                    by2 = p_v[pl.ds(oy2 + idx, _L)][0]
                    scv = jnp.full((_L,), sc, jnp.float32)
                    bx1v = jnp.full((_L,), bx1, jnp.float32)
                    by1v = jnp.full((_L,), by1, jnp.float32)
                    bx2v = jnp.full((_L,), bx2, jnp.float32)
                    by2v = jnp.full((_L,), by2, jnp.float32)
                    bav = (bx2v - bx1v) * (by2v - by1v)

                    def _iou_chunk(cc, acc):
                        sl = pl.ds(cc * _L, _L)
                        ltx = jnp.maximum(sx1[sl], bx1v)
                        lty = jnp.maximum(sy1[sl], by1v)
                        rbx = jnp.minimum(sx2[sl], bx2v)
                        rby = jnp.minimum(sy2[sl], by2v)
                        w = jnp.maximum(rbx - ltx, 0.0)
                        h = jnp.maximum(rby - lty, 0.0)
                        inter = w * h
                        iou = inter / (sar[sl] + bav - inter + 1e-9)
                        return jnp.maximum(acc, iou)
                    acc = lax.fori_loop(0, (kept + _L - 1) // _L,
                                        _iou_chunk, zeros)

                    valid = sc > jnp.float32(-1e8)
                    suppressed = _hmax16(acc) > jnp.float32(_IOU_THRESH)
                    keep_it = valid & jnp.logical_not(suppressed) & (kept < _GATE)
                    fill_it = ((jnp.logical_not(valid) | suppressed)
                               & (fc < _MAX_DET))

                    kf = jnp.where(keep_it, jnp.float32(1.0), jnp.float32(0.0))
                    kmask = jnp.where(lane0, jnp.full((_L,), kf, jnp.float32),
                                      zeros) > 0.0
                    for arr, val in ((sx1, bx1v), (sy1, by1v), (sx2, bx2v),
                                     (sy2, by2v), (sar, bav), (ssc, scv)):
                        wnd = arr[pl.ds(kept, _L)]
                        arr[pl.ds(kept, _L)] = jnp.where(kmask, val, wnd)

                    for arr, val in ((fx1, bx1v), (fy1, by1v), (fx2, bx2v),
                                     (fy2, by2v)):
                        arr[pl.ds(fc, _L)] = val

                    kept2 = kept + jnp.where(keep_it, 1, 0).astype(jnp.int32)
                    fc2 = fc + jnp.where(fill_it, 1, 0).astype(jnp.int32)
                    return (kept2, fc2)

                kept, fc = lax.fori_loop(0, _CH, _cand, (st[0], st[1]))
                st[0] = kept
                st[1] = fc
                lastsc = p_v[pl.ds(b * _CH + _CH - 1, _L)][0]
                done = ((kept >= _MAX_DET)
                        | ((lastsc <= jnp.float32(-1e8)) & (fc >= _MAX_DET)))
                st[2] = jnp.where(done, 1, 0).astype(jnp.int32)
            return 0
        lax.fori_loop(0, nch, _chunk, 0)

        def _bulk(c, _):
            sl = pl.ds(c * _L, _L)
            out_v[0, sl] = sx1[sl]
            out_v[1, sl] = sy1[sl]
            out_v[2, sl] = sx2[sl]
            out_v[3, sl] = sy2[sl]
            out_v[4, sl] = ssc[sl]
            return 0
        lax.fori_loop(0, _CAP // _L, _bulk, 0)

        kstart = jnp.minimum(st[0], jnp.int32(_MAX_DET))

        def _patch(j, _):
            kept = st[0]
            fj = j - kept
            vx1 = fx1[pl.ds(fj, _L)][0]
            vy1 = fy1[pl.ds(fj, _L)][0]
            vx2 = fx2[pl.ds(fj, _L)][0]
            vy2 = fy2[pl.ds(fj, _L)][0]
            for r, val in enumerate((vx1, vy1, vx2, vy2,
                                     jnp.float32(_NEG))):
                wnd = out_v[r, pl.ds(j, _L)]
                out_v[r, pl.ds(j, _L)] = jnp.where(
                    lane0, jnp.full((_L,), val, jnp.float32), wnd)
            return 0
        lax.fori_loop(kstart, _MAX_DET, _patch, 0)
        pltpu.sync_copy(out_v, out_hbm)


def kernel(boxes, scores):
    n = boxes.shape[0]
    nch = -(-n // _CH)
    npad = nch * _CH
    nbuf = npad + _L
    pad = nbuf - n

    s = jnp.where(scores > _SCORE_THRESH, scores,
                  jnp.float32(_NEG)).astype(jnp.float32)
    neg_sorted, order = lax.sort((-s, lax.iota(jnp.int32, n)),
                                 num_keys=1, is_stable=True)
    s_p = jnp.pad(-neg_sorted, (0, pad), constant_values=_NEG)
    packed = jnp.concatenate([
        s_p,
        jnp.pad(order.astype(jnp.float32), (0, pad)),
        jnp.pad(boxes[:, 0], (0, pad)),
        jnp.pad(boxes[:, 1], (0, pad)),
        jnp.pad(boxes[:, 2], (0, pad)),
        jnp.pad(boxes[:, 3], (0, pad)),
    ])

    mesh = plsc.VectorSubcoreMesh(core_axis_name="c", subcore_axis_name="s")
    run = pl.kernel(
        functools.partial(_nms_body, nbuf, nch),
        out_type=jax.ShapeDtypeStruct((5, _CAP), jnp.float32),
        mesh=mesh,
        scratch_types=[
            pltpu.VMEM((6 * nbuf,), jnp.float32),
            pltpu.VMEM((_CAP,), jnp.float32),
            pltpu.VMEM((_CAP,), jnp.float32),
            pltpu.VMEM((_CAP,), jnp.float32),
            pltpu.VMEM((_CAP,), jnp.float32),
            pltpu.VMEM((_CAP,), jnp.float32),
            pltpu.VMEM((_CAP,), jnp.float32),
            pltpu.VMEM((_CAP,), jnp.float32),
            pltpu.VMEM((_CAP,), jnp.float32),
            pltpu.VMEM((_CAP,), jnp.float32),
            pltpu.VMEM((_CAP,), jnp.float32),
            pltpu.VMEM((5, _CAP), jnp.float32),
            pltpu.SMEM((4,), jnp.int32),
        ],
    )
    out = run(packed)
    return out[:, :_MAX_DET].T

# --- scband reference (transcript-rebuilt; emitter-appended) ---
"""Pipeline reference for scband-orcnnroiheads-88957362635533 (READ-ONLY COPY).

The authoritative reference and input builder live on the scoring server;
editing this copy changes nothing except your own understanding.
"""

import jax, jax.numpy as jnp
import numpy as np

N = 5000
MAX_DET = 100
IOU_THRESH = 0.5
SCORE_THRESH = 0.05


def setup_inputs(seed: int = 0) -> dict:
    key = jax.random.key(seed)
    k1, k2, k3 = jax.random.split(key, 3)
    xy = jax.random.uniform(k1, (N, 2), dtype=jnp.float32) * 1024.0
    wh = jax.random.uniform(k2, (N, 2), dtype=jnp.float32) * 128.0 + 1.0
    boxes = jnp.concatenate([xy, xy + wh], axis=1)  # valid x1<x2, y1<y2
    scores = jax.random.uniform(k3, (N,), dtype=jnp.float32)
    return {"boxes": boxes, "scores": scores}


def _pairwise_iou(b1, b2):
    area1 = (b1[:, 2] - b1[:, 0]) * (b1[:, 3] - b1[:, 1])
    area2 = (b2[:, 2] - b2[:, 0]) * (b2[:, 3] - b2[:, 1])
    lt = jnp.maximum(b1[:, None, :2], b2[None, :, :2])
    rb = jnp.minimum(b1[:, None, 2:], b2[None, :, 2:])
    wh = jnp.maximum(rb - lt, 0.0)
    inter = wh[..., 0] * wh[..., 1]
    return inter / (area1[:, None] + area2[None, :] - inter + 1e-9)


def reference(boxes, scores):
    # Test-time box inference path of ORCNNROIHeads (fast_rcnn_inference):
    # 1) score threshold filter, 2) greedy NMS at test_nms_thresh,
    # 3) keep top test_detections_per_img detections.
    n = boxes.shape[0]
    valid = scores > SCORE_THRESH
    s = jnp.where(valid, scores, -1e9)
    order = jnp.argsort(-s)
    b = jnp.take(boxes, order, axis=0)
    s_sorted = jnp.take(s, order, axis=0)
    iou = _pairwise_iou(b, b)
    idx = jnp.arange(n)

    def body(i, keep):
        k_i = keep[i]
        suppress = k_i & (idx > i) & (iou[i] > IOU_THRESH)
        return keep & (~suppress)

    keep = jax.lax.fori_loop(0, n, body, jnp.ones((n,), dtype=jnp.bool_))
    final_scores = jnp.where(keep & (s_sorted > -1e8), s_sorted, -1e9)
    top_s, top_i = jax.lax.top_k(final_scores, MAX_DET)
    det_boxes = jnp.take(b, top_i, axis=0)
    detections = jnp.concatenate([det_boxes, top_s[:, None]], axis=1)  # [MAX_DET, 5]
    return detections

if __name__ == "__main__":
    import jax
    _d = setup_inputs()
    print(jax.jit(kernel)(*tuple(_d.values())))

</pallas_src>

<mosaic_0001>
#map = affine_map<(d0, d1) -> (0)>
#map1 = affine_map<(d0, d1) -> (0, 0)>
module attributes {stable_mosaic.version = 14 : i64} {
  func.func @_nms_body(%arg0: i32, %arg1: i32, %arg2: memref<30816xf32, #tpu.memory_space<hbm>>, %arg3: memref<5x128xf32, #tpu.memory_space<hbm>>, %arg4: memref<30816xf32, #tpu.memory_space<vmem>>, %arg5: memref<128xf32, #tpu.memory_space<vmem>>, %arg6: memref<128xf32, #tpu.memory_space<vmem>>, %arg7: memref<128xf32, #tpu.memory_space<vmem>>, %arg8: memref<128xf32, #tpu.memory_space<vmem>>, %arg9: memref<128xf32, #tpu.memory_space<vmem>>, %arg10: memref<128xf32, #tpu.memory_space<vmem>>, %arg11: memref<128xf32, #tpu.memory_space<vmem>>, %arg12: memref<128xf32, #tpu.memory_space<vmem>>, %arg13: memref<128xf32, #tpu.memory_space<vmem>>, %arg14: memref<128xf32, #tpu.memory_space<vmem>>, %arg15: memref<5x128xf32, #tpu.memory_space<vmem>>, %arg16: memref<4xi32, #tpu.memory_space<smem>>) attributes {dimension_semantics = [#tpu.dimension_semantics<core_parallel>, #tpu.dimension_semantics<subcore_parallel>], iteration_bounds = array<i64: 2, 16>, scalar_prefetch = 0 : i64, scratch_operands = 13 : i64, tpu.core_type = #tpu.core_type<sc_vector_subcore>, window_params = [{transform_indices = #map}, {transform_indices = #map1}]} {
    %eq3A = arith.constant 0 : i32
    %eq3A_0 = arith.cmpi eq, %arg0, %eq3A : i32
    %eq3A_1 = arith.constant 0 : i32
    %eq3A_2 = arith.cmpi eq, %arg1, %eq3A_1 : i32
    %and3A = arith.andi %eq3A_0, %eq3A_2 : i1
    %convert_element_type3A = arith.extui %and3A : i1 to i32
    %cond3A = arith.constant 0 : i32
    %cond3A_3 = arith.cmpi ne, %convert_element_type3A, %cond3A : i32
    scf.if %cond3A_3 {
      "tpu.region"() ({
        %run_scoped3A = tpu.sem_alloc : memref<!tpu.dma_semaphore, #tpu.memory_space<semaphore_mem>>
        tpu.enqueue_dma source(%arg2 : memref<30816xf32, #tpu.memory_space<hbm>>) target(%arg4 : memref<30816xf32, #tpu.memory_space<vmem>>) target_semaphore(%run_scoped3A : memref<!tpu.dma_semaphore, #tpu.memory_space<semaphore_mem>>)
        tpu.wait_dma2 semaphore(%run_scoped3A : memref<!tpu.dma_semaphore, #tpu.memory_space<semaphore_mem>>) src(%arg2 : memref<30816xf32, #tpu.memory_space<hbm>>) dst(%arg4 : memref<30816xf32, #tpu.memory_space<vmem>>)
        tpu.yield
      }) : () -> ()
      %iota3A = tpu.iota {dimensions = array<i32: 0>} : vector<16xi32>
      %eq3A_4 = arith.constant 0 : i32
      %eq3A_5 = vector.broadcast %eq3A_4 : i32 to vector<16xi32>
      %eq3A_6 = arith.cmpi eq, %iota3A, %eq3A_5 : vector<16xi32>
      %broadcast_in_dim3A = arith.constant 0.000000e+00 : f32
      %broadcast_in_dim3A_7 = vector.broadcast %broadcast_in_dim3A : f32 to vector<16xf32>
      %scan3A = arith.constant 0 : i32
      %scan3A_8 = arith.constant 0 : i32
      %scan3A_9 = arith.constant 8 : i32
      %scan3A_10 = arith.addi %scan3A_8, %scan3A_9 : i32
      %scan3A_11 = arith.constant 1 : i32
      %scan3A_12 = scf.for %scan3A_53 = %scan3A_8 to %scan3A_10 step %scan3A_11 iter_args(%scan3A_54 = %scan3A) -> (i32)  : i32 {
        %mul3A = arith.constant 16 : i32
        %mul3A_55 = arith.muli %scan3A_53, %mul3A : i32
        %broadcast_in_dim3A_56 = arith.constant -4.000000e+00 : f32
        %broadcast_in_dim3A_57 = vector.broadcast %broadcast_in_dim3A_56 : f32 to vector<16xf32>
        %swap3A_58 = arith.index_cast %mul3A_55 : i32 to index
        %swap3A_59 = tpu.vector_load %arg5[%swap3A_58] {strides = array<i32>} : memref<128xf32, #tpu.memory_space<vmem>>, vector<16xf32>,
        %swap3A_60 = vector.shape_cast %swap3A_59 : vector<16xf32> to vector<16xf32>
        %swap3A_61 = vector.shape_cast %broadcast_in_dim3A_57 : vector<16xf32> to vector<16xf32>
        tpu.vector_store %arg5[%swap3A_58], %swap3A_61 {strides = array<i32>} : memref<128xf32, #tpu.memory_space<vmem>>, vector<16xf32>,
        %broadcast_in_dim3A_62 = arith.constant -4.000000e+00 : f32
        %broadcast_in_dim3A_63 = vector.broadcast %broadcast_in_dim3A_62 : f32 to vector<16xf32>
        %swap3A_64 = arith.index_cast %mul3A_55 : i32 to index
        %swap3A_65 = tpu.vector_load %arg6[%swap3A_64] {strides = array<i32>} : memref<128xf32, #tpu.memory_space<vmem>>, vector<16xf32>,
        %swap3A_66 = vector.shape_cast %swap3A_65 : vector<16xf32> to vector<16xf32>
        %swap3A_67 = vector.shape_cast %broadcast_in_dim3A_63 : vector<16xf32> to vector<16xf32>
        tpu.vector_store %arg6[%swap3A_64], %swap3A_67 {strides = array<i32>} : memref<128xf32, #tpu.memory_space<vmem>>, vector<16xf32>,
        %broadcast_in_dim3A_68 = arith.constant -2.000000e+00 : f32
        %broadcast_in_dim3A_69 = vector.broadcast %broadcast_in_dim3A_68 : f32 to vector<16xf32>
        %swap3A_70 = arith.index_cast %mul3A_55 : i32 to index
        %swap3A_71 = tpu.vector_load %arg7[%swap3A_70] {strides = array<i32>} : memref<128xf32, #tpu.memory_space<vmem>>, vector<16xf32>,
        %swap3A_72 = vector.shape_cast %swap3A_71 : vector<16xf32> to vector<16xf32>
        %swap3A_73 = vector.shape_cast %broadcast_in_dim3A_69 : vector<16xf32> to vector<16xf32>
        tpu.vector_store %arg7[%swap3A_70], %swap3A_73 {strides = array<i32>} : memref<128xf32, #tpu.memory_space<vmem>>, vector<16xf32>,
        %broadcast_in_dim3A_74 = arith.constant -2.000000e+00 : f32
        %broadcast_in_dim3A_75 = vector.broadcast %broadcast_in_dim3A_74 : f32 to vector<16xf32>
        %swap3A_76 = arith.index_cast %mul3A_55 : i32 to index
        %swap3A_77 = tpu.vector_load %arg8[%swap3A_76] {strides = array<i32>} : memref<128xf32, #tpu.memory_space<vmem>>, vector<16xf32>,
        %swap3A_78 = vector.shape_cast %swap3A_77 : vector<16xf32> to vector<16xf32>
        %swap3A_79 = vector.shape_cast %broadcast_in_dim3A_75 : vector<16xf32> to vector<16xf32>
        tpu.vector_store %arg8[%swap3A_76], %swap3A_79 {strides = array<i32>} : memref<128xf32, #tpu.memory_space<vmem>>, vector<16xf32>,
        %broadcast_in_dim3A_80 = arith.constant 4.000000e+00 : f32
        %broadcast_in_dim3A_81 = vector.broadcast %broadcast_in_dim3A_80 : f32 to vector<16xf32>
        %swap3A_82 = arith.index_cast %mul3A_55 : i32 to index
        %swap3A_83 = tpu.vector_load %arg9[%swap3A_82] {strides = array<i32>} : memref<128xf32, #tpu.memory_space<vmem>>, vector<16xf32>,
        %swap3A_84 = vector.shape_cast %swap3A_83 : vector<16xf32> to vector<16xf32>
        %swap3A_85 = vector.shape_cast %broadcast_in_dim3A_81 : vector<16xf32> to vector<16xf32>
        tpu.vector_store %arg9[%swap3A_82], %swap3A_85 {strides = array<i32>} : memref<128xf32, #tpu.memory_space<vmem>>, vector<16xf32>,
        %broadcast_in_dim3A_86 = arith.constant -1.000000e+09 : f32
        %broadcast_in_dim3A_87 = vector.broadcast %broadcast_in_dim3A_86 : f32 to vector<16xf32>
        %swap3A_88 = arith.index_cast %mul3A_55 : i32 to index
        %swap3A_89 = tpu.vector_load %arg10[%swap3A_88] {strides = array<i32>} : memref<128xf32, #tpu.memory_space<vmem>>, vector<16xf32>,
        %swap3A_90 = vector.shape_cast %swap3A_89 : vector<16xf32> to vector<16xf32>
        %swap3A_91 = vector.shape_cast %broadcast_in_dim3A_87 : vector<16xf32> to vector<16xf32>
        tpu.vector_store %arg10[%swap3A_88], %swap3A_91 {strides = array<i32>} : memref<128xf32, #tpu.memory_space<vmem>>, vector<16xf32>,
        %scan3A_92 = arith.constant 0 : i32
        scf.yield %scan3A_92 : i32
      }
      %scan3A_13 = arith.constant 8 : i32
      %swap3A = arith.constant 0 : i32
      %swap3A_14 = arith.constant 0 : i32
      %swap3A_15 = arith.index_cast %swap3A_14 : i32 to index
      %swap3A_16 = memref.load %arg16[%swap3A_15] : memref<4xi32, #tpu.memory_space<smem>>
      memref.store %swap3A, %arg16[%swap3A_15] : memref<4xi32, #tpu.memory_space<smem>>
      %swap3A_17 = arith.constant 0 : i32
      %swap3A_18 = arith.constant 1 : i32
      %swap3A_19 = arith.index_cast %swap3A_18 : i32 to index
      %swap3A_20 = memref.load %arg16[%swap3A_19] : memref<4xi32, #tpu.memory_space<smem>>
      memref.store %swap3A_17, %arg16[%swap3A_19] : memref<4xi32, #tpu.memory_space<smem>>
      %swap3A_21 = arith.constant 0 : i32
      %swap3A_22 = arith.constant 2 : i32
      %swap3A_23 = arith.index_cast %swap3A_22 : i32 to index
      %swap3A_24 = memref.load %arg16[%swap3A_23] : memref<4xi32, #tpu.memory_space<smem>>
      memref.store %swap3A_21, %arg16[%swap3A_23] : memref<4xi32, #tpu.memory_space<smem>>
      %scan3A_25 = arith.constant 0 : i32
      %scan3A_26 = arith.constant 0 : i32
      %scan3A_27 = arith.constant 40 : i32
      %scan3A_28 = arith.addi %scan3A_26, %scan3A_27 : i32
      %scan3A_29 = arith.constant 1 : i32
      %scan3A_30 = scf.for %scan3A_53 = %scan3A_26 to %scan3A_28 step %scan3A_29 iter_args(%scan3A_54 = %scan3A_25) -> (i32)  : i32 {
        %get3A_55 = arith.constant 2 : i32
        %get3A_56 = arith.index_cast %get3A_55 : i32 to index
        %get3A_57 = memref.load %arg16[%get3A_56] : memref<4xi32, #tpu.memory_space<smem>>
        %eq3A_58 = arith.constant 0 : i32
        %eq3A_59 = arith.cmpi eq, %get3A_57, %eq3A_58 : i32
        %convert_element_type3A_60 = arith.extui %eq3A_59 : i1 to i32
        %cond3A_61 = arith.constant 0 : i32
        %cond3A_62 = arith.cmpi ne, %convert_element_type3A_60, %cond3A_61 : i32
        scf.if %cond3A_62 {
          %get3A_64 = arith.constant 0 : i32
          %get3A_65 = arith.index_cast %get3A_64 : i32 to index
          %get3A_66 = memref.load %arg16[%get3A_65] : memref<4xi32, #tpu.memory_space<smem>>
          %get3A_67 = arith.constant 1 : i32
          %get3A_68 = arith.index_cast %get3A_67 : i32 to index
          %get3A_69 = memref.load %arg16[%get3A_68] : memref<4xi32, #tpu.memory_space<smem>>
          %scan3A_70 = arith.constant 0 : i32
          %scan3A_71 = arith.constant 128 : i32
          %scan3A_72 = arith.addi %scan3A_70, %scan3A_71 : i32
          %scan3A_73 = arith.constant 1 : i32
          %scan3A_74:2 = scf.for %scan3A_97 = %scan3A_70 to %scan3A_72 step %scan3A_73 iter_args(%scan3A_98 = %get3A_66, %scan3A_99 = %get3A_69) -> (i32, i32)  : i32 {
            %mul3A_100 = arith.constant 128 : i32
            %mul3A_101 = arith.muli %scan3A_53, %mul3A_100 : i32
            %add3A_102 = arith.addi %mul3A_101, %scan3A_97 : i32
            %get3A_103 = arith.index_cast %add3A_102 : i32 to index
            %get3A_104 = tpu.vector_load %arg4[%get3A_103] {strides = array<i32>} : memref<30816xf32, #tpu.memory_space<vmem>>, vector<16xf32>,
            %get3A_105 = vector.shape_cast %get3A_104 : vector<16xf32> to vector<16xf32>
            %slice3A_106 = vector.extract_strided_slice %get3A_105 {offsets = [0], sizes = [1], strides = [1]} : vector<16xf32> to vector<1xf32>
            %squeeze3A_107 = vector.extract %slice3A_106[0] : f32 from vector<1xf32>
            %add3A_108 = arith.constant 5136 : i32
            %add3A_109 = arith.addi %add3A_108, %add3A_102 : i32
            %get3A_110 = arith.index_cast %add3A_109 : i32 to index
            %get3A_111 = tpu.vector_load %arg4[%get3A_110] {strides = array<i32>} : memref<30816xf32, #tpu.memory_space<vmem>>, vector<16xf32>,
            %get3A_112 = vector.shape_cast %get3A_111 : vector<16xf32> to vector<16xf32>
            %slice3A_113 = vector.extract_strided_slice %get3A_112 {offsets = [0], sizes = [1], strides = [1]} : vector<16xf32> to vector<1xf32>
            %squeeze3A_114 = vector.extract %slice3A_113[0] : f32 from vector<1xf32>
            %convert_element_type3A_115 = arith.fptosi %squeeze3A_114 : f32 to i32
            %add3A_116 = arith.constant 10272 : i32
            %add3A_117 = arith.addi %add3A_116, %convert_element_type3A_115 : i32
            %get3A_118 = arith.index_cast %add3A_117 : i32 to index
            %get3A_119 = tpu.vector_load %arg4[%get3A_118] {strides = array<i32>} : memref<30816xf32, #tpu.memory_space<vmem>>, vector<16xf32>,
            %get3A_120 = vector.shape_cast %get3A_119 : vector<16xf32> to vector<16xf32>
            %slice3A_121 = vector.extract_strided_slice %get3A_120 {offsets = [0], sizes = [1], strides = [1]} : vector<16xf32> to vector<1xf32>
            %squeeze3A_122 = vector.extract %slice3A_121[0] : f32 from vector<1xf32>
            %add3A_123 = arith.constant 15408 : i32
            %add3A_124 = arith.addi %add3A_123, %convert_element_type3A_115 : i32
            %get3A_125 = arith.index_cast %add3A_124 : i32 to index
            %get3A_126 = tpu.vector_load %arg4[%get3A_125] {strides = array<i32>} : memref<30816xf32, #tpu.memory_space<vmem>>, vector<16xf32>,
            %get3A_127 = vector.shape_cast %get3A_126 : vector<16xf32> to vector<16xf32>
            %slice3A_128 = vector.extract_strided_slice %get3A_127 {offsets = [0], sizes = [1], strides = [1]} : vector<16xf32> to vector<1xf32>
            %squeeze3A_129 = vector.extract %slice3A_128[0] : f32 from vector<1xf32>
            %add3A_130 = arith.constant 20544 : i32
            %add3A_131 = arith.addi %add3A_130, %convert_element_type3A_115 : i32
            %get3A_132 = arith.index_cast %add3A_131 : i32 to index
            %get3A_133 = tpu.vector_load %arg4[%get3A_132] {strides = array<i32>} : memref<30816xf32, #tpu.memory_space<vmem>>, vector<16xf32>,
            %get3A_134 = vector.shape_cast %get3A_133 : vector<16xf32> to vector<16xf32>
            %slice3A_135 = vector.extract_strided_slice %get3A_134 {offsets = [0], sizes = [1], strides = [1]} : vector<16xf32> to vector<1xf32>
            %squeeze3A_136 = vector.extract %slice3A_135[0] : f32 from vector<1xf32>
            %add3A_137 = arith.constant 25680 : i32
            %add3A_138 = arith.addi %add3A_137, %convert_element_type3A_115 : i32
            %get3A_139 = arith.index_cast %add3A_138 : i32 to index
            %get3A_140 = tpu.vector_load %arg4[%get3A_139] {strides = array<i32>} : memref<30816xf32, #tpu.memory_space<vmem>>, vector<16xf32>,
            %get3A_141 = vector.shape_cast %get3A_140 : vector<16xf32> to vector<16xf32>
            %slice3A_142 = vector.extract_strided_slice %get3A_141 {offsets = [0], sizes = [1], strides = [1]} : vector<16xf32> to vector<1xf32>
            %squeeze3A_143 = vector.extract %slice3A_142[0] : f32 from vector<1xf32>
            %broadcast_in_dim3A_144 = vector.broadcast %squeeze3A_107 : f32 to vector<16xf32>
            %broadcast_in_dim3A_145 = vector.broadcast %squeeze3A_122 : f32 to vector<16xf32>
            %broadcast_in_dim3A_146 = vector.broadcast %squeeze3A_129 : f32 to vector<16xf32>
            %broadcast_in_dim3A_147 = vector.broadcast %squeeze3A_136 : f32 to vector<16xf32>
            %broadcast_in_dim3A_148 = vector.broadcast %squeeze3A_143 : f32 to vector<16xf32>
            %sub3A_149 = arith.subf %broadcast_in_dim3A_147, %broadcast_in_dim3A_145 : vector<16xf32>
            %sub3A_150 = arith.subf %broadcast_in_dim3A_148, %broadcast_in_dim3A_146 : vector<16xf32>
            %mul3A_151 = arith.mulf %sub3A_149, %sub3A_150 : vector<16xf32>
            %add3A_152 = arith.constant 16 : i32
            %add3A_153 = arith.addi %scan3A_98, %add3A_152 : i32
            %sub3A_154 = arith.constant 1 : i32
            %sub3A_155 = arith.subi %add3A_153, %sub3A_154 : i32
            %jit3A_156 = arith.constant 16 : i32
            %div3A = arith.divsi %sub3A_155, %jit3A_156 : i32
            %sign3A = arith.constant 0 : i32
            %sign3A_157 = arith.cmpi sgt, %sub3A_155, %sign3A : i32
            %sign3A_158 = arith.extui %sign3A_157 : i1 to i32
            %sign3A_159 = arith.constant 0 : i32
            %sign3A_160 = arith.cmpi slt, %sub3A_155, %sign3A_159 : i32
            %sign3A_161 = arith.extui %sign3A_160 : i1 to i32
            %sign3A_162 = arith.subi %sign3A_158, %sign3A_161 : i32
            %sign3A_163 = arith.constant 0 : i32
            %sign3A_164 = arith.cmpi sgt, %jit3A_156, %sign3A_163 : i32
            %sign3A_165 = arith.extui %sign3A_164 : i1 to i32
            %sign3A_166 = arith.constant 0 : i32
            %sign3A_167 = arith.cmpi slt, %jit3A_156, %sign3A_166 : i32
            %sign3A_168 = arith.extui %sign3A_167 : i1 to i32
            %sign3A_169 = arith.subi %sign3A_165, %sign3A_168 : i32
            %ne3A = arith.cmpi ne, %sign3A_162, %sign3A_169 : i32
            %rem3A = arith.remsi %sub3A_155, %jit3A_156 : i32
            %ne3A_170 = arith.constant 0 : i32
            %ne3A_171 = arith.cmpi ne, %rem3A, %ne3A_170 : i32
            %and3A_172 = arith.andi %ne3A, %ne3A_171 : i1
            %sub3A_173 = arith.constant 1 : i32
            %sub3A_174 = arith.subi %div3A, %sub3A_173 : i32
            %select_n3A_175 = arith.select %and3A_172, %sub3A_174, %div3A : i32
            %while3A_176 = arith.constant 0 : i32
            %while3A_177 = arith.subi %select_n3A_175, %while3A_176 : i32
            %while3A_178 = arith.addi %while3A_176, %while3A_177 : i32
            %while3A_179 = arith.constant 1 : i32
            %while3A_180 = arith.divsi %while3A_177, %while3A_179 : i32
            %while3A_181 = arith.muli %while3A_180, %while3A_179 : i32
            %while3A_182 = arith.addi %while3A_176, %while3A_181 : i32
            %while3A_183 = arith.constant 1 : i32
            %while3A_184 = scf.for %while3A_326 = %while3A_176 to %while3A_182 step %while3A_183 iter_args(%while3A_327 = %broadcast_in_dim3A_7) -> (vector<16xf32>)  : i32 {
              %mul3A_328 = arith.constant 16 : i32
              %mul3A_329 = arith.muli %while3A_326, %mul3A_328 : i32
              %get3A_330 = arith.index_cast %mul3A_329 : i32 to index
              %get3A_331 = tpu.vector_load %arg5[%get3A_330] {strides = array<i32>} : memref<128xf32, #tpu.memory_space<vmem>>, vector<16xf32>,
              %get3A_332 = vector.shape_cast %get3A_331 : vector<16xf32> to vector<16xf32>
              %max3A_333 = arith.maximumf %get3A_332, %broadcast_in_dim3A_145 : vector<16xf32>
              %get3A_334 = arith.index_cast %mul3A_329 : i32 to index
              %get3A_335 = tpu.vector_load %arg6[%get3A_334] {strides = array<i32>} : memref<128xf32, #tpu.memory_space<vmem>>, vector<16xf32>,
              %get3A_336 = vector.shape_cast %get3A_335 : vector<16xf32> to vector<16xf32>
              %max3A_337 = arith.maximumf %get3A_336, %broadcast_in_dim3A_146 : vector<16xf32>
              %get3A_338 = arith.index_cast %mul3A_329 : i32 to index
              %get3A_339 = tpu.vector_load %arg7[%get3A_338] {strides = array<i32>} : memref<128xf32, #tpu.memory_space<vmem>>, vector<16xf32>,
              %get3A_340 = vector.shape_cast %get3A_339 : vector<16xf32> to vector<16xf32>
              %min3A_341 = arith.minimumf %get3A_340, %broadcast_in_dim3A_147 : vector<16xf32>
              %get3A_342 = arith.index_cast %mul3A_329 : i32 to index
              %get3A_343 = tpu.vector_load %arg8[%get3A_342] {strides = array<i32>} : memref<128xf32, #tpu.memory_space<vmem>>, vector<16xf32>,
              %get3A_344 = vector.shape_cast %get3A_343 : vector<16xf32> to vector<16xf32>
              %min3A_345 = arith.minimumf %get3A_344, %broadcast_in_dim3A_148 : vector<16xf32>
              %sub3A_346 = arith.subf %min3A_341, %max3A_333 : vector<16xf32>
              %max3A_347 = arith.constant 0.000000e+00 : f32
              %max3A_348 = vector.broadcast %max3A_347 : f32 to vector<16xf32>
              %max3A_349 = arith.maximumf %sub3A_346, %max3A_348 : vector<16xf32>
              %sub3A_350 = arith.subf %min3A_345, %max3A_337 : vector<16xf32>
              %max3A_351 = arith.constant 0.000000e+00 : f32
              %max3A_352 = vector.broadcast %max3A_351 : f32 to vector<16xf32>
              %max3A_353 = arith.maximumf %sub3A_350, %max3A_352 : vector<16xf32>
              %mul3A_354 = arith.mulf %max3A_349, %max3A_353 : vector<16xf32>
              %get3A_355 = arith.index_cast %mul3A_329 : i32 to index
              %get3A_356 = tpu.vector_load %arg9[%get3A_355] {strides = array<i32>} : memref<128xf32, #tpu.memory_space<vmem>>, vector<16xf32>,
              %get3A_357 = vector.shape_cast %get3A_356 : vector<16xf32> to vector<16xf32>
              %add3A_358 = arith.addf %get3A_357, %mul3A_151 : vector<16xf32>
              %sub3A_359 = arith.subf %add3A_358, %mul3A_354 : vector<16xf32>
              %add3A_360 = arith.constant 9.99999971E-10 : f32
              %add3A_361 = vector.broadcast %add3A_360 : f32 to vector<16xf32>
              %add3A_362 = arith.addf %sub3A_359, %add3A_361 : vector<16xf32>
              %div3A_363 = arith.divf %mul3A_354, %add3A_362 : vector<16xf32>
              %max3A_364 = arith.maximumf %while3A_327, %div3A_363 : vector<16xf32>
              scf.yield %max3A_364 : vector<16xf32>
            }
            %while3A_185 = arith.constant 1 : i32
            %while3A_186 = scf.for %while3A_326 = %while3A_182 to %while3A_178 step %while3A_185 iter_args(%while3A_327 = %while3A_184) -> (vector<16xf32>)  : i32 {
              %mul3A_328 = arith.constant 16 : i32
              %mul3A_329 = arith.muli %while3A_326, %mul3A_328 : i32
              %get3A_330 = arith.index_cast %mul3A_329 : i32 to index
              %get3A_331 = tpu.vector_load %arg5[%get3A_330] {strides = array<i32>} : memref<128xf32, #tpu.memory_space<vmem>>, vector<16xf32>,
              %get3A_332 = vector.shape_cast %get3A_331 : vector<16xf32> to vector<16xf32>
              %max3A_333 = arith.maximumf %get3A_332, %broadcast_in_dim3A_145 : vector<16xf32>
              %get3A_334 = arith.index_cast %mul3A_329 : i32 to index
              %get3A_335 = tpu.vector_load %arg6[%get3A_334] {strides = array<i32>} : memref<128xf32, #tpu.memory_space<vmem>>, vector<16xf32>,
              %get3A_336 = vector.shape_cast %get3A_335 : vector<16xf32> to vector<16xf32>
              %max3A_337 = arith.maximumf %get3A_336, %broadcast_in_dim3A_146 : vector<16xf32>
              %get3A_338 = arith.index_cast %mul3A_329 : i32 to index
              %get3A_339 = tpu.vector_load %arg7[%get3A_338] {strides = array<i32>} : memref<128xf32, #tpu.memory_space<vmem>>, vector<16xf32>,
              %get3A_340 = vector.shape_cast %get3A_339 : vector<16xf32> to vector<16xf32>
              %min3A_341 = arith.minimumf %get3A_340, %broadcast_in_dim3A_147 : vector<16xf32>
              %get3A_342 = arith.index_cast %mul3A_329 : i32 to index
              %get3A_343 = tpu.vector_load %arg8[%get3A_342] {strides = array<i32>} : memref<128xf32, #tpu.memory_space<vmem>>, vector<16xf32>,
              %get3A_344 = vector.shape_cast %get3A_343 : vector<16xf32> to vector<16xf32>
              %min3A_345 = arith.minimumf %get3A_344, %broadcast_in_dim3A_148 : vector<16xf32>
              %sub3A_346 = arith.subf %min3A_341, %max3A_333 : vector<16xf32>
              %max3A_347 = arith.constant 0.000000e+00 : f32
              %max3A_348 = vector.broadcast %max3A_347 : f32 to vector<16xf32>
              %max3A_349 = arith.maximumf %sub3A_346, %max3A_348 : vector<16xf32>
              %sub3A_350 = arith.subf %min3A_345, %max3A_337 : vector<16xf32>
              %max3A_351 = arith.constant 0.000000e+00 : f32
              %max3A_352 = vector.broadcast %max3A_351 : f32 to vector<16xf32>
              %max3A_353 = arith.maximumf %sub3A_350, %max3A_352 : vector<16xf32>
              %mul3A_354 = arith.mulf %max3A_349, %max3A_353 : vector<16xf32>
              %get3A_355 = arith.index_cast %mul3A_329 : i32 to index
              %get3A_356 = tpu.vector_load %arg9[%get3A_355] {strides = array<i32>} : memref<128xf32, #tpu.memory_space<vmem>>, vector<16xf32>,
              %get3A_357 = vector.shape_cast %get3A_356 : vector<16xf32> to vector<16xf32>
              %add3A_358 = arith.addf %get3A_357, %mul3A_151 : vector<16xf32>
              %sub3A_359 = arith.subf %add3A_358, %mul3A_354 : vector<16xf32>
              %add3A_360 = arith.constant 9.99999971E-10 : f32
              %add3A_361 = vector.broadcast %add3A_360 : f32 to vector<16xf32>
              %add3A_362 = arith.addf %sub3A_359, %add3A_361 : vector<16xf32>
              %div3A_363 = arith.divf %mul3A_354, %add3A_362 : vector<16xf32>
              %max3A_364 = arith.maximumf %while3A_327, %div3A_363 : vector<16xf32>
              scf.yield %max3A_364 : vector<16xf32>
            }
            %gt3A = arith.constant -1.000000e+08 : f32
            %gt3A_187 = arith.cmpf ogt, %squeeze3A_107, %gt3A : f32
            %slice3A_188 = vector.extract_strided_slice %while3A_186 {offsets = [0], sizes = [1], strides = [1]} : vector<16xf32> to vector<1xf32>
            %squeeze3A_189 = vector.extract %slice3A_188[0] : f32 from vector<1xf32>
            %slice3A_190 = vector.extract_strided_slice %while3A_186 {offsets = [1], sizes = [1], strides = [1]} : vector<16xf32> to vector<1xf32>
            %squeeze3A_191 = vector.extract %slice3A_190[0] : f32 from vector<1xf32>
            %max3A = arith.maximumf %squeeze3A_189, %squeeze3A_191 : f32
            %slice3A_192 = vector.extract_strided_slice %while3A_186 {offsets = [2], sizes = [1], strides = [1]} : vector<16xf32> to vector<1xf32>
            %squeeze3A_193 = vector.extract %slice3A_192[0] : f32 from vector<1xf32>
            %slice3A_194 = vector.extract_strided_slice %while3A_186 {offsets = [3], sizes = [1], strides = [1]} : vector<16xf32> to vector<1xf32>
            %squeeze3A_195 = vector.extract %slice3A_194[0] : f32 from vector<1xf32>
            %max3A_196 = arith.maximumf %squeeze3A_193, %squeeze3A_195 : f32
            %slice3A_197 = vector.extract_strided_slice %while3A_186 {offsets = [4], sizes = [1], strides = [1]} : vector<16xf32> to vector<1xf32>
            %squeeze3A_198 = vector.extract %slice3A_197[0] : f32 from vector<1xf32>
            %slice3A_199 = vector.extract_strided_slice %while3A_186 {offsets = [5], sizes = [1], strides = [1]} : vector<16xf32> to vector<1xf32>
            %squeeze3A_200 = vector.extract %slice3A_199[0] : f32 from vector<1xf32>
            %max3A_201 = arith.maximumf %squeeze3A_198, %squeeze3A_200 : f32
            %slice3A_202 = vector.extract_strided_slice %while3A_186 {offsets = [6], sizes = [1], strides = [1]} : vector<16xf32> to vector<1xf32>
            %squeeze3A_203 = vector.extract %slice3A_202[0] : f32 from vector<1xf32>
            %slice3A_204 = vector.extract_strided_slice %while3A_186 {offsets = [7], sizes = [1], strides = [1]} : vector<16xf32> to vector<1xf32>
            %squeeze3A_205 = vector.extract %slice3A_204[0] : f32 from vector<1xf32>
            %max3A_206 = arith.maximumf %squeeze3A_203, %squeeze3A_205 : f32
            %slice3A_207 = vector.extract_strided_slice %while3A_186 {offsets = [8], sizes = [1], strides = [1]} : vector<16xf32> to vector<1xf32>
            %squeeze3A_208 = vector.extract %slice3A_207[0] : f32 from vector<1xf32>
            %slice3A_209 = vector.extract_strided_slice %while3A_186 {offsets = [9], sizes = [1], strides = [1]} : vector<16xf32> to vector<1xf32>
            %squeeze3A_210 = vector.extract %slice3A_209[0] : f32 from vector<1xf32>
            %max3A_211 = arith.maximumf %squeeze3A_208, %squeeze3A_210 : f32
            %slice3A_212 = vector.extract_strided_slice %while3A_186 {offsets = [10], sizes = [1], strides = [1]} : vector<16xf32> to vector<1xf32>
            %squeeze3A_213 = vector.extract %slice3A_212[0] : f32 from vector<1xf32>
            %slice3A_214 = vector.extract_strided_slice %while3A_186 {offsets = [11], sizes = [1], strides = [1]} : vector<16xf32> to vector<1xf32>
            %squeeze3A_215 = vector.extract %slice3A_214[0] : f32 from vector<1xf32>
            %max3A_216 = arith.maximumf %squeeze3A_213, %squeeze3A_215 : f32
            %slice3A_217 = vector.extract_strided_slice %while3A_186 {offsets = [12], sizes = [1], strides = [1]} : vector<16xf32> to vector<1xf32>
            %squeeze3A_218 = vector.extract %slice3A_217[0] : f32 from vector<1xf32>
            %slice3A_219 = vector.extract_strided_slice %while3A_186 {offsets = [13], sizes = [1], strides = [1]} : vector<16xf32> to vector<1xf32>
            %squeeze3A_220 = vector.extract %slice3A_219[0] : f32 from vector<1xf32>
            %max3A_221 = arith.maximumf %squeeze3A_218, %squeeze3A_220 : f32
            %slice3A_222 = vector.extract_strided_slice %while3A_186 {offsets = [14], sizes = [1], strides = [1]} : vector<16xf32> to vector<1xf32>
            %squeeze3A_223 = vector.extract %slice3A_222[0] : f32 from vector<1xf32>
            %slice3A_224 = vector.extract_strided_slice %while3A_186 {offsets = [15], sizes = [1], strides = [1]} : vector<16xf32> to vector<1xf32>
            %squeeze3A_225 = vector.extract %slice3A_224[0] : f32 from vector<1xf32>
            %max3A_226 = arith.maximumf %squeeze3A_223, %squeeze3A_225 : f32
            %max3A_227 = arith.maximumf %max3A, %max3A_196 : f32
            %max3A_228 = arith.maximumf %max3A_201, %max3A_206 : f32
            %max3A_229 = arith.maximumf %max3A_227, %max3A_228 : f32
            %max3A_230 = arith.maximumf %max3A_211, %max3A_216 : f32
            %max3A_231 = arith.maximumf %max3A_221, %max3A_226 : f32
            %max3A_232 = arith.maximumf %max3A_230, %max3A_231 : f32
            %max3A_233 = arith.maximumf %max3A_229, %max3A_232 : f32
            %gt3A_234 = arith.constant 5.000000e-01 : f32
            %gt3A_235 = arith.cmpf ogt, %max3A_233, %gt3A_234 : f32
            %not3A = arith.constant true
            %not3A_236 = arith.xori %gt3A_235, %not3A : i1
            %and3A_237 = arith.andi %gt3A_187, %not3A_236 : i1
            %lt3A = arith.constant 112 : i32
            %lt3A_238 = arith.cmpi slt, %scan3A_98, %lt3A : i32
            %and3A_239 = arith.andi %and3A_237, %lt3A_238 : i1
            %not3A_240 = arith.constant true
            %not3A_241 = arith.xori %gt3A_187, %not3A_240 : i1
            %or3A_242 = arith.ori %not3A_241, %gt3A_235 : i1
            %lt3A_243 = arith.constant 100 : i32
            %lt3A_244 = arith.cmpi slt, %scan3A_99, %lt3A_243 : i32
            %and3A_245 = arith.andi %or3A_242, %lt3A_244 : i1
            %jit3A_246 = arith.constant 1.000000e+00 : f32
            %jit3A_247 = arith.constant 0.000000e+00 : f32
            %select_n3A_248 = arith.select %and3A_239, %jit3A_246, %jit3A_247 : f32
            %broadcast_in_dim3A_249 = vector.broadcast %select_n3A_248 : f32 to vector<16xf32>
            %select_n3A_250 = arith.select %eq3A_6, %broadcast_in_dim3A_249, %broadcast_in_dim3A_7 : vector<16xi1>, vector<16xf32>
            %gt3A_251 = arith.constant 0.000000e+00 : f32
            %gt3A_252 = vector.broadcast %gt3A_251 : f32 to vector<16xf32>
            %gt3A_253 = arith.cmpf ogt, %select_n3A_250, %gt3A_252 : vector<16xf32>
            %get3A_254 = arith.index_cast %scan3A_98 : i32 to index
            %get3A_255 = tpu.vector_load %arg5[%get3A_254] {strides = array<i32>} : memref<128xf32, #tpu.memory_space<vmem>>, vector<16xf32>,
            %get3A_256 = vector.shape_cast %get3A_255 : vector<16xf32> to vector<16xf32>
            %select_n3A_257 = arith.select %gt3A_253, %broadcast_in_dim3A_145, %get3A_256 : vector<16xi1>, vector<16xf32>
            %swap3A_258 = arith.index_cast %scan3A_98 : i32 to index
            %swap3A_259 = tpu.vector_load %arg5[%swap3A_258] {strides = array<i32>} : memref<128xf32, #tpu.memory_space<vmem>>, vector<16xf32>,
            %swap3A_260 = vector.shape_cast %swap3A_259 : vector<16xf32> to vector<16xf32>
            %swap3A_261 = vector.shape_cast %select_n3A_257 : vector<16xf32> to vector<16xf32>
            tpu.vector_store %arg5[%swap3A_258], %swap3A_261 {strides = array<i32>} : memref<128xf32, #tpu.memory_space<vmem>>, vector<16xf32>,
            %get3A_262 = arith.index_cast %scan3A_98 : i32 to index
            %get3A_263 = tpu.vector_load %arg6[%get3A_262] {strides = array<i32>} : memref<128xf32, #tpu.memory_space<vmem>>, vector<16xf32>,
            %get3A_264 = vector.shape_cast %get3A_263 : vector<16xf32> to vector<16xf32>
            %select_n3A_265 = arith.select %gt3A_253, %broadcast_in_dim3A_146, %get3A_264 : vector<16xi1>, vector<16xf32>
            %swap3A_266 = arith.index_cast %scan3A_98 : i32 to index
            %swap3A_267 = tpu.vector_load %arg6[%swap3A_266] {strides = array<i32>} : memref<128xf32, #tpu.memory_space<vmem>>, vector<16xf32>,
            %swap3A_268 = vector.shape_cast %swap3A_267 : vector<16xf32> to vector<16xf32>
            %swap3A_269 = vector.shape_cast %select_n3A_265 : vector<16xf32> to vector<16xf32>
            tpu.vector_store %arg6[%swap3A_266], %swap3A_269 {strides = array<i32>} : memref<128xf32, #tpu.memory_space<vmem>>, vector<16xf32>,
            %get3A_270 = arith.index_cast %scan3A_98 : i32 to index
            %get3A_271 = tpu.vector_load %arg7[%get3A_270] {strides = array<i32>} : memref<128xf32, #tpu.memory_space<vmem>>, vector<16xf32>,
            %get3A_272 = vector.shape_cast %get3A_271 : vector<16xf32> to vector<16xf32>
            %select_n3A_273 = arith.select %gt3A_253, %broadcast_in_dim3A_147, %get3A_272 : vector<16xi1>, vector<16xf32>
            %swap3A_274 = arith.index_cast %scan3A_98 : i32 to index
            %swap3A_275 = tpu.vector_load %arg7[%swap3A_274] {strides = array<i32>} : memref<128xf32, #tpu.memory_space<vmem>>, vector<16xf32>,
            %swap3A_276 = vector.shape_cast %swap3A_275 : vector<16xf32> to vector<16xf32>
            %swap3A_277 = vector.shape_cast %select_n3A_273 : vector<16xf32> to vector<16xf32>
            tpu.vector_store %arg7[%swap3A_274], %swap3A_277 {strides = array<i32>} : memref<128xf32, #tpu.memory_space<vmem>>, vector<16xf32>,
            %get3A_278 = arith.index_cast %scan3A_98 : i32 to index
            %get3A_279 = tpu.vector_load %arg8[%get3A_278] {strides = array<i32>} : memref<128xf32, #tpu.memory_space<vmem>>, vector<16xf32>,
            %get3A_280 = vector.shape_cast %get3A_279 : vector<16xf32> to vector<16xf32>
            %select_n3A_281 = arith.select %gt3A_253, %broadcast_in_dim3A_148, %get3A_280 : vector<16xi1>, vector<16xf32>
            %swap3A_282 = arith.index_cast %scan3A_98 : i32 to index
            %swap3A_283 = tpu.vector_load %arg8[%swap3A_282] {strides = array<i32>} : memref<128xf32, #tpu.memory_space<vmem>>, vector<16xf32>,
            %swap3A_284 = vector.shape_cast %swap3A_283 : vector<16xf32> to vector<16xf32>
            %swap3A_285 = vector.shape_cast %select_n3A_281 : vector<16xf32> to vector<16xf32>
            tpu.vector_store %arg8[%swap3A_282], %swap3A_285 {strides = array<i32>} : memref<128xf32, #tpu.memory_space<vmem>>, vector<16xf32>,
            %get3A_286 = arith.index_cast %scan3A_98 : i32 to index
            %get3A_287 = tpu.vector_load %arg9[%get3A_286] {strides = array<i32>} : memref<128xf32, #tpu.memory_space<vmem>>, vector<16xf32>,
            %get3A_288 = vector.shape_cast %get3A_287 : vector<16xf32> to vector<16xf32>
            %select_n3A_289 = arith.select %gt3A_253, %mul3A_151, %get3A_288 : vector<16xi1>, vector<16xf32>
            %swap3A_290 = arith.index_cast %scan3A_98 : i32 to index
            %swap3A_291 = tpu.vector_load %arg9[%swap3A_290] {strides = array<i32>} : memref<128xf32, #tpu.memory_space<vmem>>, vector<16xf32>,
            %swap3A_292 = vector.shape_cast %swap3A_291 : vector<16xf32> to vector<16xf32>
            %swap3A_293 = vector.shape_cast %select_n3A_289 : vector<16xf32> to vector<16xf32>
            tpu.vector_store %arg9[%swap3A_290], %swap3A_293 {strides = array<i32>} : memref<128xf32, #tpu.memory_space<vmem>>, vector<16xf32>,
            %get3A_294 = arith.index_cast %scan3A_98 : i32 to index
            %get3A_295 = tpu.vector_load %arg10[%get3A_294] {strides = array<i32>} : memref<128xf32, #tpu.memory_space<vmem>>, vector<16xf32>,
            %get3A_296 = vector.shape_cast %get3A_295 : vector<16xf32> to vector<16xf32>
            %select_n3A_297 = arith.select %gt3A_253, %broadcast_in_dim3A_144, %get3A_296 : vector<16xi1>, vector<16xf32>
            %swap3A_298 = arith.index_cast %scan3A_98 : i32 to index
            %swap3A_299 = tpu.vector_load %arg10[%swap3A_298] {strides = array<i32>} : memref<128xf32, #tpu.memory_space<vmem>>, vector<16xf32>,
            %swap3A_300 = vector.shape_cast %swap3A_299 : vector<16xf32> to vector<16xf32>
            %swap3A_301 = vector.shape_cast %select_n3A_297 : vector<16xf32> to vector<16xf32>
            tpu.vector_store %arg10[%swap3A_298], %swap3A_301 {strides = array<i32>} : memref<128xf32, #tpu.memory_space<vmem>>, vector<16xf32>,
            %swap3A_302 = arith.index_cast %scan3A_99 : i32 to index
            %swap3A_303 = tpu.vector_load %arg11[%swap3A_302] {strides = array<i32>} : memref<128xf32, #tpu.memory_space<vmem>>, vector<16xf32>,
            %swap3A_304 = vector.shape_cast %swap3A_303 : vector<16xf32> to vector<16xf32>
            %swap3A_305 = vector.shape_cast %broadcast_in_dim3A_145 : vector<16xf32> to vector<16xf32>
            tpu.vector_store %arg11[%swap3A_302], %swap3A_305 {strides = array<i32>} : memref<128xf32, #tpu.memory_space<vmem>>, vector<16xf32>,
            %swap3A_306 = arith.index_cast %scan3A_99 : i32 to index
            %swap3A_307 = tpu.vector_load %arg12[%swap3A_306] {strides = array<i32>} : memref<128xf32, #tpu.memory_space<vmem>>, vector<16xf32>,
            %swap3A_308 = vector.shape_cast %swap3A_307 : vector<16xf32> to vector<16xf32>
            %swap3A_309 = vector.shape_cast %broadcast_in_dim3A_146 : vector<16xf32> to vector<16xf32>
            tpu.vector_store %arg12[%swap3A_306], %swap3A_309 {strides = array<i32>} : memref<128xf32, #tpu.memory_space<vmem>>, vector<16xf32>,
            %swap3A_310 = arith.index_cast %scan3A_99 : i32 to index
            %swap3A_311 = tpu.vector_load %arg13[%swap3A_310] {strides = array<i32>} : memref<128xf32, #tpu.memory_space<vmem>>, vector<16xf32>,
            %swap3A_312 = vector.shape_cast %swap3A_311 : vector<16xf32> to vector<16xf32>
            %swap3A_313 = vector.shape_cast %broadcast_in_dim3A_147 : vector<16xf32> to vector<16xf32>
            tpu.vector_store %arg13[%swap3A_310], %swap3A_313 {strides = array<i32>} : memref<128xf32, #tpu.memory_space<vmem>>, vector<16xf32>,
            %swap3A_314 = arith.index_cast %scan3A_99 : i32 to index
            %swap3A_315 = tpu.vector_load %arg14[%swap3A_314] {strides = array<i32>} : memref<128xf32, #tpu.memory_space<vmem>>, vector<16xf32>,
            %swap3A_316 = vector.shape_cast %swap3A_315 : vector<16xf32> to vector<16xf32>
            %swap3A_317 = vector.shape_cast %broadcast_in_dim3A_148 : vector<16xf32> to vector<16xf32>
            tpu.vector_store %arg14[%swap3A_314], %swap3A_317 {strides = array<i32>} : memref<128xf32, #tpu.memory_space<vmem>>, vector<16xf32>,
            %jit3A_318 = arith.constant 1 : i32
            %jit3A_319 = arith.constant 0 : i32
            %select_n3A_320 = arith.select %and3A_239, %jit3A_318, %jit3A_319 : i32
            %add3A_321 = arith.addi %scan3A_98, %select_n3A_320 : i32
            %jit3A_322 = arith.constant 1 : i32
            %jit3A_323 = arith.constant 0 : i32
            %select_n3A_324 = arith.select %and3A_245, %jit3A_322, %jit3A_323 : i32
            %add3A_325 = arith.addi %scan3A_99, %select_n3A_324 : i32
            scf.yield %add3A_321, %add3A_325 : i32, i32
          }
          %scan3A_75 = arith.constant 128 : i32
          %swap3A_76 = arith.constant 0 : i32
          %swap3A_77 = arith.index_cast %swap3A_76 : i32 to index
          %swap3A_78 = memref.load %arg16[%swap3A_77] : memref<4xi32, #tpu.memory_space<smem>>
          memref.store %scan3A_74#0, %arg16[%swap3A_77] : memref<4xi32, #tpu.memory_space<smem>>
          %swap3A_79 = arith.constant 1 : i32
          %swap3A_80 = arith.index_cast %swap3A_79 : i32 to index
          %swap3A_81 = memref.load %arg16[%swap3A_80] : memref<4xi32, #tpu.memory_space<smem>>
          memref.store %scan3A_74#1, %arg16[%swap3A_80] : memref<4xi32, #tpu.memory_space<smem>>
          %mul3A = arith.constant 128 : i32
          %mul3A_82 = arith.muli %scan3A_53, %mul3A : i32
          %add3A = arith.constant 128 : i32
          %add3A_83 = arith.addi %mul3A_82, %add3A : i32
          %sub3A = arith.constant 1 : i32
          %sub3A_84 = arith.subi %add3A_83, %sub3A : i32
          %get3A_85 = arith.index_cast %sub3A_84 : i32 to index
          %get3A_86 = tpu.vector_load %arg4[%get3A_85] {strides = array<i32>} : memref<30816xf32, #tpu.memory_space<vmem>>, vector<16xf32>,
          %get3A_87 = vector.shape_cast %get3A_86 : vector<16xf32> to vector<16xf32>
          %slice3A = vector.extract_strided_slice %get3A_87 {offsets = [0], sizes = [1], strides = [1]} : vector<16xf32> to vector<1xf32>
          %squeeze3A = vector.extract %slice3A[0] : f32 from vector<1xf32>
          %ge3A = arith.constant 100 : i32
          %ge3A_88 = arith.cmpi sge, %scan3A_74#0, %ge3A : i32
          %le3A = arith.constant -1.000000e+08 : f32
          %le3A_89 = arith.cmpf ole, %squeeze3A, %le3A : f32
          %ge3A_90 = arith.constant 100 : i32
          %ge3A_91 = arith.cmpi sge, %scan3A_74#1, %ge3A_90 : i32
          %and3A_92 = arith.andi %le3A_89, %ge3A_91 : i1
          %or3A = arith.ori %ge3A_88, %and3A_92 : i1
          %jit3A = arith.constant 1 : i32
          %jit3A_93 = arith.constant 0 : i32
          %select_n3A = arith.select %or3A, %jit3A, %jit3A_93 : i32
          %swap3A_94 = arith.constant 2 : i32
          %swap3A_95 = arith.index_cast %swap3A_94 : i32 to index
          %swap3A_96 = memref.load %arg16[%swap3A_95] : memref<4xi32, #tpu.memory_space<smem>>
          memref.store %select_n3A, %arg16[%swap3A_95] : memref<4xi32, #tpu.memory_space<smem>>
        } else {
        }
        %scan3A_63 = arith.constant 0 : i32
        scf.yield %scan3A_63 : i32
      }
      %scan3A_31 = arith.constant 40 : i32
      %scan3A_32 = arith.constant 0 : i32
      %scan3A_33 = arith.constant 0 : i32
      %scan3A_34 = arith.constant 8 : i32
      %scan3A_35 = arith.addi %scan3A_33, %scan3A_34 : i32
      %scan3A_36 = arith.constant 1 : i32
      %scan3A_37 = scf.for %scan3A_53 = %scan3A_33 to %scan3A_35 step %scan3A_36 iter_args(%scan3A_54 = %scan3A_32) -> (i32)  : i32 {
        %mul3A = arith.constant 16 : i32
        %mul3A_55 = arith.muli %scan3A_53, %mul3A : i32
        %get3A_56 = arith.index_cast %mul3A_55 : i32 to index
        %get3A_57 = tpu.vector_load %arg5[%get3A_56] {strides = array<i32>} : memref<128xf32, #tpu.memory_space<vmem>>, vector<16xf32>,
        %get3A_58 = vector.shape_cast %get3A_57 : vector<16xf32> to vector<16xf32>
        %swap3A_59 = arith.constant 0 : i32
        %swap3A_60 = arith.index_cast %swap3A_59 : i32 to index
        %swap3A_61 = arith.index_cast %mul3A_55 : i32 to index
        %swap3A_62 = tpu.vector_load %arg15[%swap3A_60, %swap3A_61] {strides = array<i32>} : memref<5x128xf32, #tpu.memory_space<vmem>>, vector<1x16xf32>,
        %swap3A_63 = vector.shape_cast %swap3A_62 : vector<1x16xf32> to vector<16xf32>
        %swap3A_64 = vector.shape_cast %get3A_58 : vector<16xf32> to vector<1x16xf32>
        tpu.vector_store %arg15[%swap3A_60, %swap3A_61], %swap3A_64 {strides = array<i32>} : memref<5x128xf32, #tpu.memory_space<vmem>>, vector<1x16xf32>,
        %get3A_65 = arith.index_cast %mul3A_55 : i32 to index
        %get3A_66 = tpu.vector_load %arg6[%get3A_65] {strides = array<i32>} : memref<128xf32, #tpu.memory_space<vmem>>, vector<16xf32>,
        %get3A_67 = vector.shape_cast %get3A_66 : vector<16xf32> to vector<16xf32>
        %swap3A_68 = arith.constant 1 : i32
        %swap3A_69 = arith.index_cast %swap3A_68 : i32 to index
        %swap3A_70 = arith.index_cast %mul3A_55 : i32 to index
        %swap3A_71 = tpu.vector_load %arg15[%swap3A_69, %swap3A_70] {strides = array<i32>} : memref<5x128xf32, #tpu.memory_space<vmem>>, vector<1x16xf32>,
        %swap3A_72 = vector.shape_cast %swap3A_71 : vector<1x16xf32> to vector<16xf32>
        %swap3A_73 = vector.shape_cast %get3A_67 : vector<16xf32> to vector<1x16xf32>
        tpu.vector_store %arg15[%swap3A_69, %swap3A_70], %swap3A_73 {strides = array<i32>} : memref<5x128xf32, #tpu.memory_space<vmem>>, vector<1x16xf32>,
        %get3A_74 = arith.index_cast %mul3A_55 : i32 to index
        %get3A_75 = tpu.vector_load %arg7[%get3A_74] {strides = array<i32>} : memref<128xf32, #tpu.memory_space<vmem>>, vector<16xf32>,
        %get3A_76 = vector.shape_cast %get3A_75 : vector<16xf32> to vector<16xf32>
        %swap3A_77 = arith.constant 2 : i32
        %swap3A_78 = arith.index_cast %swap3A_77 : i32 to index
        %swap3A_79 = arith.index_cast %mul3A_55 : i32 to index
        %swap3A_80 = tpu.vector_load %arg15[%swap3A_78, %swap3A_79] {strides = array<i32>} : memref<5x128xf32, #tpu.memory_space<vmem>>, vector<1x16xf32>,
        %swap3A_81 = vector.shape_cast %swap3A_80 : vector<1x16xf32> to vector<16xf32>
        %swap3A_82 = vector.shape_cast %get3A_76 : vector<16xf32> to vector<1x16xf32>
        tpu.vector_store %arg15[%swap3A_78, %swap3A_79], %swap3A_82 {strides = array<i32>} : memref<5x128xf32, #tpu.memory_space<vmem>>, vector<1x16xf32>,
        %get3A_83 = arith.index_cast %mul3A_55 : i32 to index
        %get3A_84 = tpu.vector_load %arg8[%get3A_83] {strides = array<i32>} : memref<128xf32, #tpu.memory_space<vmem>>, vector<16xf32>,
        %get3A_85 = vector.shape_cast %get3A_84 : vector<16xf32> to vector<16xf32>
        %swap3A_86 = arith.constant 3 : i32
        %swap3A_87 = arith.index_cast %swap3A_86 : i32 to index
        %swap3A_88 = arith.index_cast %mul3A_55 : i32 to index
        %swap3A_89 = tpu.vector_load %arg15[%swap3A_87, %swap3A_88] {strides = array<i32>} : memref<5x128xf32, #tpu.memory_space<vmem>>, vector<1x16xf32>,
        %swap3A_90 = vector.shape_cast %swap3A_89 : vector<1x16xf32> to vector<16xf32>
        %swap3A_91 = vector.shape_cast %get3A_85 : vector<16xf32> to vector<1x16xf32>
        tpu.vector_store %arg15[%swap3A_87, %swap3A_88], %swap3A_91 {strides = array<i32>} : memref<5x128xf32, #tpu.memory_space<vmem>>, vector<1x16xf32>,
        %get3A_92 = arith.index_cast %mul3A_55 : i32 to index
        %get3A_93 = tpu.vector_load %arg10[%get3A_92] {strides = array<i32>} : memref<128xf32, #tpu.memory_space<vmem>>, vector<16xf32>,
        %get3A_94 = vector.shape_cast %get3A_93 : vector<16xf32> to vector<16xf32>
        %swap3A_95 = arith.constant 4 : i32
        %swap3A_96 = arith.index_cast %swap3A_95 : i32 to index
        %swap3A_97 = arith.index_cast %mul3A_55 : i32 to index
        %swap3A_98 = tpu.vector_load %arg15[%swap3A_96, %swap3A_97] {strides = array<i32>} : memref<5x128xf32, #tpu.memory_space<vmem>>, vector<1x16xf32>,
        %swap3A_99 = vector.shape_cast %swap3A_98 : vector<1x16xf32> to vector<16xf32>
        %swap3A_100 = vector.shape_cast %get3A_94 : vector<16xf32> to vector<1x16xf32>
        tpu.vector_store %arg15[%swap3A_96, %swap3A_97], %swap3A_100 {strides = array<i32>} : memref<5x128xf32, #tpu.memory_space<vmem>>, vector<1x16xf32>,
        %scan3A_101 = arith.constant 0 : i32
        scf.yield %scan3A_101 : i32
      }
      %scan3A_38 = arith.constant 8 : i32
      %get3A = arith.constant 0 : i32
      %get3A_39 = arith.index_cast %get3A : i32 to index
      %get3A_40 = memref.load %arg16[%get3A_39] : memref<4xi32, #tpu.memory_space<smem>>
      %min3A = arith.constant 100 : i32
      %min3A_41 = arith.minsi %get3A_40, %min3A : i32
      %while3A = arith.constant 100 : i32
      %while3A_42 = arith.constant 0 : i32
      %while3A_43 = arith.subi %while3A, %min3A_41 : i32
      %while3A_44 = arith.addi %min3A_41, %while3A_43 : i32
      %while3A_45 = arith.constant 1 : i32
      %while3A_46 = arith.divsi %while3A_43, %while3A_45 : i32
      %while3A_47 = arith.muli %while3A_46, %while3A_45 : i32
      %while3A_48 = arith.addi %min3A_41, %while3A_47 : i32
      %while3A_49 = arith.constant 1 : i32
      %while3A_50 = scf.for %while3A_53 = %min3A_41 to %while3A_48 step %while3A_49 iter_args(%while3A_54 = %while3A_42) -> (i32)  : i32 {
        %get3A_55 = arith.constant 0 : i32
        %get3A_56 = arith.index_cast %get3A_55 : i32 to index
        %get3A_57 = memref.load %arg16[%get3A_56] : memref<4xi32, #tpu.memory_space<smem>>
        %sub3A = arith.subi %while3A_53, %get3A_57 : i32
        %get3A_58 = arith.index_cast %sub3A : i32 to index
        %get3A_59 = tpu.vector_load %arg11[%get3A_58] {strides = array<i32>} : memref<128xf32, #tpu.memory_space<vmem>>, vector<16xf32>,
        %get3A_60 = vector.shape_cast %get3A_59 : vector<16xf32> to vector<16xf32>
        %slice3A = vector.extract_strided_slice %get3A_60 {offsets = [0], sizes = [1], strides = [1]} : vector<16xf32> to vector<1xf32>
        %squeeze3A = vector.extract %slice3A[0] : f32 from vector<1xf32>
        %get3A_61 = arith.index_cast %sub3A : i32 to index
        %get3A_62 = tpu.vector_load %arg12[%get3A_61] {strides = array<i32>} : memref<128xf32, #tpu.memory_space<vmem>>, vector<16xf32>,
        %get3A_63 = vector.shape_cast %get3A_62 : vector<16xf32> to vector<16xf32>
        %slice3A_64 = vector.extract_strided_slice %get3A_63 {offsets = [0], sizes = [1], strides = [1]} : vector<16xf32> to vector<1xf32>
        %squeeze3A_65 = vector.extract %slice3A_64[0] : f32 from vector<1xf32>
        %get3A_66 = arith.index_cast %sub3A : i32 to index
        %get3A_67 = tpu.vector_load %arg13[%get3A_66] {strides = array<i32>} : memref<128xf32, #tpu.memory_space<vmem>>, vector<16xf32>,
        %get3A_68 = vector.shape_cast %get3A_67 : vector<16xf32> to vector<16xf32>
        %slice3A_69 = vector.extract_strided_slice %get3A_68 {offsets = [0], sizes = [1], strides = [1]} : vector<16xf32> to vector<1xf32>
        %squeeze3A_70 = vector.extract %slice3A_69[0] : f32 from vector<1xf32>
        %get3A_71 = arith.index_cast %sub3A : i32 to index
        %get3A_72 = tpu.vector_load %arg14[%get3A_71] {strides = array<i32>} : memref<128xf32, #tpu.memory_space<vmem>>, vector<16xf32>,
        %get3A_73 = vector.shape_cast %get3A_72 : vector<16xf32> to vector<16xf32>
        %slice3A_74 = vector.extract_strided_slice %get3A_73 {offsets = [0], sizes = [1], strides = [1]} : vector<16xf32> to vector<1xf32>
        %squeeze3A_75 = vector.extract %slice3A_74[0] : f32 from vector<1xf32>
        %get3A_76 = arith.constant 0 : i32
        %get3A_77 = arith.index_cast %get3A_76 : i32 to index
        %get3A_78 = arith.index_cast %while3A_53 : i32 to index
        %get3A_79 = tpu.vector_load %arg15[%get3A_77, %get3A_78] {strides = array<i32>} : memref<5x128xf32, #tpu.memory_space<vmem>>, vector<1x16xf32>,
        %get3A_80 = vector.shape_cast %get3A_79 : vector<1x16xf32> to vector<16xf32>
        %broadcast_in_dim3A_81 = vector.broadcast %squeeze3A : f32 to vector<16xf32>
        %select_n3A = arith.select %eq3A_6, %broadcast_in_dim3A_81, %get3A_80 : vector<16xi1>, vector<16xf32>
        %swap3A_82 = arith.constant 0 : i32
        %swap3A_83 = arith.index_cast %swap3A_82 : i32 to index
        %swap3A_84 = arith.index_cast %while3A_53 : i32 to index
        %swap3A_85 = tpu.vector_load %arg15[%swap3A_83, %swap3A_84] {strides = array<i32>} : memref<5x128xf32, #tpu.memory_space<vmem>>, vector<1x16xf32>,
        %swap3A_86 = vector.shape_cast %swap3A_85 : vector<1x16xf32> to vector<16xf32>
        %swap3A_87 = vector.shape_cast %select_n3A : vector<16xf32> to vector<1x16xf32>
        tpu.vector_store %arg15[%swap3A_83, %swap3A_84], %swap3A_87 {strides = array<i32>} : memref<5x128xf32, #tpu.memory_space<vmem>>, vector<1x16xf32>,
        %get3A_88 = arith.constant 1 : i32
        %get3A_89 = arith.index_cast %get3A_88 : i32 to index
        %get3A_90 = arith.index_cast %while3A_53 : i32 to index
        %get3A_91 = tpu.vector_load %arg15[%get3A_89, %get3A_90] {strides = array<i32>} : memref<5x128xf32, #tpu.memory_space<vmem>>, vector<1x16xf32>,
        %get3A_92 = vector.shape_cast %get3A_91 : vector<1x16xf32> to vector<16xf32>
        %broadcast_in_dim3A_93 = vector.broadcast %squeeze3A_65 : f32 to vector<16xf32>
        %select_n3A_94 = arith.select %eq3A_6, %broadcast_in_dim3A_93, %get3A_92 : vector<16xi1>, vector<16xf32>
        %swap3A_95 = arith.constant 1 : i32
        %swap3A_96 = arith.index_cast %swap3A_95 : i32 to index
        %swap3A_97 = arith.index_cast %while3A_53 : i32 to index
        %swap3A_98 = tpu.vector_load %arg15[%swap3A_96, %swap3A_97] {strides = array<i32>} : memref<5x128xf32, #tpu.memory_space<vmem>>, vector<1x16xf32>,
        %swap3A_99 = vector.shape_cast %swap3A_98 : vector<1x16xf32> to vector<16xf32>
        %swap3A_100 = vector.shape_cast %select_n3A_94 : vector<16xf32> to vector<1x16xf32>
        tpu.vector_store %arg15[%swap3A_96, %swap3A_97], %swap3A_100 {strides = array<i32>} : memref<5x128xf32, #tpu.memory_space<vmem>>, vector<1x16xf32>,
        %get3A_101 = arith.constant 2 : i32
        %get3A_102 = arith.index_cast %get3A_101 : i32 to index
        %get3A_103 = arith.index_cast %while3A_53 : i32 to index
        %get3A_104 = tpu.vector_load %arg15[%get3A_102, %get3A_103] {strides = array<i32>} : memref<5x128xf32, #tpu.memory_space<vmem>>, vector<1x16xf32>,
        %get3A_105 = vector.shape_cast %get3A_104 : vector<1x16xf32> to vector<16xf32>
        %broadcast_in_dim3A_106 = vector.broadcast %squeeze3A_70 : f32 to vector<16xf32>
        %select_n3A_107 = arith.select %eq3A_6, %broadcast_in_dim3A_106, %get3A_105 : vector<16xi1>, vector<16xf32>
        %swap3A_108 = arith.constant 2 : i32
        %swap3A_109 = arith.index_cast %swap3A_108 : i32 to index
        %swap3A_110 = arith.index_cast %while3A_53 : i32 to index
        %swap3A_111 = tpu.vector_load %arg15[%swap3A_109, %swap3A_110] {strides = array<i32>} : memref<5x128xf32, #tpu.memory_space<vmem>>, vector<1x16xf32>,
        %swap3A_112 = vector.shape_cast %swap3A_111 : vector<1x16xf32> to vector<16xf32>
        %swap3A_113 = vector.shape_cast %select_n3A_107 : vector<16xf32> to vector<1x16xf32>
        tpu.vector_store %arg15[%swap3A_109, %swap3A_110], %swap3A_113 {strides = array<i32>} : memref<5x128xf32, #tpu.memory_space<vmem>>, vector<1x16xf32>,
        %get3A_114 = arith.constant 3 : i32
        %get3A_115 = arith.index_cast %get3A_114 : i32 to index
        %get3A_116 = arith.index_cast %while3A_53 : i32 to index
        %get3A_117 = tpu.vector_load %arg15[%get3A_115, %get3A_116] {strides = array<i32>} : memref<5x128xf32, #tpu.memory_space<vmem>>, vector<1x16xf32>,
        %get3A_118 = vector.shape_cast %get3A_117 : vector<1x16xf32> to vector<16xf32>
        %broadcast_in_dim3A_119 = vector.broadcast %squeeze3A_75 : f32 to vector<16xf32>
        %select_n3A_120 = arith.select %eq3A_6, %broadcast_in_dim3A_119, %get3A_118 : vector<16xi1>, vector<16xf32>
        %swap3A_121 = arith.constant 3 : i32
        %swap3A_122 = arith.index_cast %swap3A_121 : i32 to index
        %swap3A_123 = arith.index_cast %while3A_53 : i32 to index
        %swap3A_124 = tpu.vector_load %arg15[%swap3A_122, %swap3A_123] {strides = array<i32>} : memref<5x128xf32, #tpu.memory_space<vmem>>, vector<1x16xf32>,
        %swap3A_125 = vector.shape_cast %swap3A_124 : vector<1x16xf32> to vector<16xf32>
        %swap3A_126 = vector.shape_cast %select_n3A_120 : vector<16xf32> to vector<1x16xf32>
        tpu.vector_store %arg15[%swap3A_122, %swap3A_123], %swap3A_126 {strides = array<i32>} : memref<5x128xf32, #tpu.memory_space<vmem>>, vector<1x16xf32>,
        %get3A_127 = arith.constant 4 : i32
        %get3A_128 = arith.index_cast %get3A_127 : i32 to index
        %get3A_129 = arith.index_cast %while3A_53 : i32 to index
        %get3A_130 = tpu.vector_load %arg15[%get3A_128, %get3A_129] {strides = array<i32>} : memref<5x128xf32, #tpu.memory_space<vmem>>, vector<1x16xf32>,
        %get3A_131 = vector.shape_cast %get3A_130 : vector<1x16xf32> to vector<16xf32>
        %broadcast_in_dim3A_132 = arith.constant -1.000000e+09 : f32
        %broadcast_in_dim3A_133 = vector.broadcast %broadcast_in_dim3A_132 : f32 to vector<16xf32>
        %select_n3A_134 = arith.select %eq3A_6, %broadcast_in_dim3A_133, %get3A_131 : vector<16xi1>, vector<16xf32>
        %swap3A_135 = arith.constant 4 : i32
        %swap3A_136 = arith.index_cast %swap3A_135 : i32 to index
        %swap3A_137 = arith.index_cast %while3A_53 : i32 to index
        %swap3A_138 = tpu.vector_load %arg15[%swap3A_136, %swap3A_137] {strides = array<i32>} : memref<5x128xf32, #tpu.memory_space<vmem>>, vector<1x16xf32>,
        %swap3A_139 = vector.shape_cast %swap3A_138 : vector<1x16xf32> to vector<16xf32>
        %swap3A_140 = vector.shape_cast %select_n3A_134 : vector<16xf32> to vector<1x16xf32>
        tpu.vector_store %arg15[%swap3A_136, %swap3A_137], %swap3A_140 {strides = array<i32>} : memref<5x128xf32, #tpu.memory_space<vmem>>, vector<1x16xf32>,
        %while3A_141 = arith.constant 0 : i32
        scf.yield %while3A_141 : i32
      }
      %while3A_51 = arith.constant 1 : i32
      %while3A_52 = scf.for %while3A_53 = %while3A_48 to %while3A_44 step %while3A_51 iter_args(%while3A_54 = %while3A_50) -> (i32)  : i32 {
        %get3A_55 = arith.constant 0 : i32
        %get3A_56 = arith.index_cast %get3A_55 : i32 to index
        %get3A_57 = memref.load %arg16[%get3A_56] : memref<4xi32, #tpu.memory_space<smem>>
        %sub3A = arith.subi %while3A_53, %get3A_57 : i32
        %get3A_58 = arith.index_cast %sub3A : i32 to index
        %get3A_59 = tpu.vector_load %arg11[%get3A_58] {strides = array<i32>} : memref<128xf32, #tpu.memory_space<vmem>>, vector<16xf32>,
        %get3A_60 = vector.shape_cast %get3A_59 : vector<16xf32> to vector<16xf32>
        %slice3A = vector.extract_strided_slice %get3A_60 {offsets = [0], sizes = [1], strides = [1]} : vector<16xf32> to vector<1xf32>
        %squeeze3A = vector.extract %slice3A[0] : f32 from vector<1xf32>
        %get3A_61 = arith.index_cast %sub3A : i32 to index
        %get3A_62 = tpu.vector_load %arg12[%get3A_61] {strides = array<i32>} : memref<128xf32, #tpu.memory_space<vmem>>, vector<16xf32>,
        %get3A_63 = vector.shape_cast %get3A_62 : vector<16xf32> to vector<16xf32>
        %slice3A_64 = vector.extract_strided_slice %get3A_63 {offsets = [0], sizes = [1], strides = [1]} : vector<16xf32> to vector<1xf32>
        %squeeze3A_65 = vector.extract %slice3A_64[0] : f32 from vector<1xf32>
        %get3A_66 = arith.index_cast %sub3A : i32 to index
        %get3A_67 = tpu.vector_load %arg13[%get3A_66] {strides = array<i32>} : memref<128xf32, #tpu.memory_space<vmem>>, vector<16xf32>,
        %get3A_68 = vector.shape_cast %get3A_67 : vector<16xf32> to vector<16xf32>
        %slice3A_69 = vector.extract_strided_slice %get3A_68 {offsets = [0], sizes = [1], strides = [1]} : vector<16xf32> to vector<1xf32>
        %squeeze3A_70 = vector.extract %slice3A_69[0] : f32 from vector<1xf32>
        %get3A_71 = arith.index_cast %sub3A : i32 to index
        %get3A_72 = tpu.vector_load %arg14[%get3A_71] {strides = array<i32>} : memref<128xf32, #tpu.memory_space<vmem>>, vector<16xf32>,
        %get3A_73 = vector.shape_cast %get3A_72 : vector<16xf32> to vector<16xf32>
        %slice3A_74 = vector.extract_strided_slice %get3A_73 {offsets = [0], sizes = [1], strides = [1]} : vector<16xf32> to vector<1xf32>
        %squeeze3A_75 = vector.extract %slice3A_74[0] : f32 from vector<1xf32>
        %get3A_76 = arith.constant 0 : i32
        %get3A_77 = arith.index_cast %get3A_76 : i32 to index
        %get3A_78 = arith.index_cast %while3A_53 : i32 to index
        %get3A_79 = tpu.vector_load %arg15[%get3A_77, %get3A_78] {strides = array<i32>} : memref<5x128xf32, #tpu.memory_space<vmem>>, vector<1x16xf32>,
        %get3A_80 = vector.shape_cast %get3A_79 : vector<1x16xf32> to vector<16xf32>
        %broadcast_in_dim3A_81 = vector.broadcast %squeeze3A : f32 to vector<16xf32>
        %select_n3A = arith.select %eq3A_6, %broadcast_in_dim3A_81, %get3A_80 : vector<16xi1>, vector<16xf32>
        %swap3A_82 = arith.constant 0 : i32
        %swap3A_83 = arith.index_cast %swap3A_82 : i32 to index
        %swap3A_84 = arith.index_cast %while3A_53 : i32 to index
        %swap3A_85 = tpu.vector_load %arg15[%swap3A_83, %swap3A_84] {strides = array<i32>} : memref<5x128xf32, #tpu.memory_space<vmem>>, vector<1x16xf32>,
        %swap3A_86 = vector.shape_cast %swap3A_85 : vector<1x16xf32> to vector<16xf32>
        %swap3A_87 = vector.shape_cast %select_n3A : vector<16xf32> to vector<1x16xf32>
        tpu.vector_store %arg15[%swap3A_83, %swap3A_84], %swap3A_87 {strides = array<i32>} : memref<5x128xf32, #tpu.memory_space<vmem>>, vector<1x16xf32>,
        %get3A_88 = arith.constant 1 : i32
        %get3A_89 = arith.index_cast %get3A_88 : i32 to index
        %get3A_90 = arith.index_cast %while3A_53 : i32 to index
        %get3A_91 = tpu.vector_load %arg15[%get3A_89, %get3A_90] {strides = array<i32>} : memref<5x128xf32, #tpu.memory_space<vmem>>, vector<1x16xf32>,
        %get3A_92 = vector.shape_cast %get3A_91 : vector<1x16xf32> to vector<16xf32>
        %broadcast_in_dim3A_93 = vector.broadcast %squeeze3A_65 : f32 to vector<16xf32>
        %select_n3A_94 = arith.select %eq3A_6, %broadcast_in_dim3A_93, %get3A_92 : vector<16xi1>, vector<16xf32>
        %swap3A_95 = arith.constant 1 : i32
        %swap3A_96 = arith.index_cast %swap3A_95 : i32 to index
        %swap3A_97 = arith.index_cast %while3A_53 : i32 to index
        %swap3A_98 = tpu.vector_load %arg15[%swap3A_96, %swap3A_97] {strides = array<i32>} : memref<5x128xf32, #tpu.memory_space<vmem>>, vector<1x16xf32>,
        %swap3A_99 = vector.shape_cast %swap3A_98 : vector<1x16xf32> to vector<16xf32>
        %swap3A_100 = vector.shape_cast %select_n3A_94 : vector<16xf32> to vector<1x16xf32>
        tpu.vector_store %arg15[%swap3A_96, %swap3A_97], %swap3A_100 {strides = array<i32>} : memref<5x128xf32, #tpu.memory_space<vmem>>, vector<1x16xf32>,
        %get3A_101 = arith.constant 2 : i32
        %get3A_102 = arith.index_cast %get3A_101 : i32 to index
        %get3A_103 = arith.index_cast %while3A_53 : i32 to index
        %get3A_104 = tpu.vector_load %arg15[%get3A_102, %get3A_103] {strides = array<i32>} : memref<5x128xf32, #tpu.memory_space<vmem>>, vector<1x16xf32>,
        %get3A_105 = vector.shape_cast %get3A_104 : vector<1x16xf32> to vector<16xf32>
        %broadcast_in_dim3A_106 = vector.broadcast %squeeze3A_70 : f32 to vector<16xf32>
        %select_n3A_107 = arith.select %eq3A_6, %broadcast_in_dim3A_106, %get3A_105 : vector<16xi1>, vector<16xf32>
        %swap3A_108 = arith.constant 2 : i32
        %swap3A_109 = arith.index_cast %swap3A_108 : i32 to index
        %swap3A_110 = arith.index_cast %while3A_53 : i32 to index
        %swap3A_111 = tpu.vector_load %arg15[%swap3A_109, %swap3A_110] {strides = array<i32>} : memref<5x128xf32, #tpu.memory_space<vmem>>, vector<1x16xf32>,
        %swap3A_112 = vector.shape_cast %swap3A_111 : vector<1x16xf32> to vector<16xf32>
        %swap3A_113 = vector.shape_cast %select_n3A_107 : vector<16xf32> to vector<1x16xf32>
        tpu.vector_store %arg15[%swap3A_109, %swap3A_110], %swap3A_113 {strides = array<i32>} : memref<5x128xf32, #tpu.memory_space<vmem>>, vector<1x16xf32>,
        %get3A_114 = arith.constant 3 : i32
        %get3A_115 = arith.index_cast %get3A_114 : i32 to index
        %get3A_116 = arith.index_cast %while3A_53 : i32 to index
        %get3A_117 = tpu.vector_load %arg15[%get3A_115, %get3A_116] {strides = array<i32>} : memref<5x128xf32, #tpu.memory_space<vmem>>, vector<1x16xf32>,
        %get3A_118 = vector.shape_cast %get3A_117 : vector<1x16xf32> to vector<16xf32>
        %broadcast_in_dim3A_119 = vector.broadcast %squeeze3A_75 : f32 to vector<16xf32>
        %select_n3A_120 = arith.select %eq3A_6, %broadcast_in_dim3A_119, %get3A_118 : vector<16xi1>, vector<16xf32>
        %swap3A_121 = arith.constant 3 : i32
        %swap3A_122 = arith.index_cast %swap3A_121 : i32 to index
        %swap3A_123 = arith.index_cast %while3A_53 : i32 to index
        %swap3A_124 = tpu.vector_load %arg15[%swap3A_122, %swap3A_123] {strides = array<i32>} : memref<5x128xf32, #tpu.memory_space<vmem>>, vector<1x16xf32>,
        %swap3A_125 = vector.shape_cast %swap3A_124 : vector<1x16xf32> to vector<16xf32>
        %swap3A_126 = vector.shape_cast %select_n3A_120 : vector<16xf32> to vector<1x16xf32>
        tpu.vector_store %arg15[%swap3A_122, %swap3A_123], %swap3A_126 {strides = array<i32>} : memref<5x128xf32, #tpu.memory_space<vmem>>, vector<1x16xf32>,
        %get3A_127 = arith.constant 4 : i32
        %get3A_128 = arith.index_cast %get3A_127 : i32 to index
        %get3A_129 = arith.index_cast %while3A_53 : i32 to index
        %get3A_130 = tpu.vector_load %arg15[%get3A_128, %get3A_129] {strides = array<i32>} : memref<5x128xf32, #tpu.memory_space<vmem>>, vector<1x16xf32>,
        %get3A_131 = vector.shape_cast %get3A_130 : vector<1x16xf32> to vector<16xf32>
        %broadcast_in_dim3A_132 = arith.constant -1.000000e+09 : f32
        %broadcast_in_dim3A_133 = vector.broadcast %broadcast_in_dim3A_132 : f32 to vector<16xf32>
        %select_n3A_134 = arith.select %eq3A_6, %broadcast_in_dim3A_133, %get3A_131 : vector<16xi1>, vector<16xf32>
        %swap3A_135 = arith.constant 4 : i32
        %swap3A_136 = arith.index_cast %swap3A_135 : i32 to index
        %swap3A_137 = arith.index_cast %while3A_53 : i32 to index
        %swap3A_138 = tpu.vector_load %arg15[%swap3A_136, %swap3A_137] {strides = array<i32>} : memref<5x128xf32, #tpu.memory_space<vmem>>, vector<1x16xf32>,
        %swap3A_139 = vector.shape_cast %swap3A_138 : vector<1x16xf32> to vector<16xf32>
        %swap3A_140 = vector.shape_cast %select_n3A_134 : vector<16xf32> to vector<1x16xf32>
        tpu.vector_store %arg15[%swap3A_136, %swap3A_137], %swap3A_140 {strides = array<i32>} : memref<5x128xf32, #tpu.memory_space<vmem>>, vector<1x16xf32>,
        %while3A_141 = arith.constant 0 : i32
        scf.yield %while3A_141 : i32
      }
      "tpu.region"() ({
        %run_scoped3A = tpu.sem_alloc : memref<!tpu.dma_semaphore, #tpu.memory_space<semaphore_mem>>
        tpu.enqueue_dma source(%arg15 : memref<5x128xf32, #tpu.memory_space<vmem>>) target(%arg3 : memref<5x128xf32, #tpu.memory_space<hbm>>) target_semaphore(%run_scoped3A : memref<!tpu.dma_semaphore, #tpu.memory_space<semaphore_mem>>)
        tpu.wait_dma2 semaphore(%run_scoped3A : memref<!tpu.dma_semaphore, #tpu.memory_space<semaphore_mem>>) src(%arg15 : memref<5x128xf32, #tpu.memory_space<vmem>>) dst(%arg3 : memref<5x128xf32, #tpu.memory_space<hbm>>)
        tpu.yield
      }) : () -> ()
    } else {
    }
    return
  }
}

</mosaic_0001>

<sc_bundles>
// kernel: kernel.3.cloned.1.call-start
scs
__scs_entry_jumppad:
0x0: {  	(pc) =	sbr.rel $0x88, $3  }
0x1: {  	(tag) =	ssettag $0x0;
	lr =	simm.s32 $0x1  }
0x2: {  	[smem:$0x3F9F] =	sst lr;
	_ =	strace $0xD0000000  }
0x3: {  	_ = 	snop  }
0x4: {  	_ = 	snop  }
0x5: {  	_ = 	snop  }
0x6: {  	_ = 	snop  }
0x7: {  	_ = 	snop  }
__scs_overlays_trampoline_lowered:
0x8: {  	[smem:$0x3FAE] =	sst s0  }
0x9: {  	[smem:$0x3FAF] =	sst s1  }
0xa: {  	[smem:$0x3FB0] =	sst s2  }
0xb: {  	[smem:$0x3FB1] =	sst s3  }
0xc: {  	[smem:$0x3FB2] =	sst s4  }
0xd: {  	[smem:$0x3FB3] =	sst s5  }
0xe: {  	[smem:$0x3FB4] =	sst s6  }
0xf: {  	[smem:$0x3FB5] =	sst s7  }
0x10: {  	[smem:$0x3FB6] =	sst s8  }
0x11: {  	[smem:$0x3FB7] =	sst s9;
	s0 =	simm.s32 @!p0 $0x0  }
0x12: {  	s1 =	sld [smem:$0x3F9D];
	s0 =	simm.s32 @p0 $0x1  }
0x13: {  	[smem:$0x3FB8] =	sst s0;
	s0 =	simm.s32 @!p1 $0x0  }
0x14: {  	s2 =	sld [smem:$0x3F9C];
	s0 =	simm.s32 @p1 $0x1  }
0x15: {  	[smem:$0x3FB9] =	sst s0;
	s0 =	simm.s32 @!p2 $0x0  }
0x16: {  	s3 =	sld [smem:$0x3FDB];
	s0 =	simm.s32 @p2 $0x1  }
0x17: {  	s4 =	simm.s32 $0x1BF5;
	[smem:$0x3FBB] =	sst s0  }
0x18: {  	s0 =	sld [smem:$0x3F9E];
	_ =	swait.ge [sflag:s4], $0x0  }
0x19: {  	s7 =	sld [smem:$0x3F9F]  }
0x1a: {  	s8 =	sadd.s32 $0xFFFFE003, lr  }
0x1b: {  	s9 =	sadd.s32 $0xFFFFFEF7, lr;
	s5 =	simm.s32 $0xFFFFFFFF;
	p2 =	slt.u32 s8, $0xFFFFF086  }
0x1c: {  	p1 =	slt.u32 s9, $0xF7A;
	s5 =	simm.s32 @!p2 $0x0  }
0x1d: {  	s5 =	simm.s32 @p1 $0x1;
	p0 =	seq.s32 s7, s2  }
0x1e: {  	s7 =	smul.u32 @!p0 $0xF7A, s2;
	p2 =	seq.s32 @!p0 s5, $0x0  }
0x1f: {  	s9 =	smul.u32 $0xF7A, s1;
	s8 =	simm.s32 @!p0 $0x1BF5;
	p2 =	por !p2, p0  }
0x20: {  	[sflag:s8] =	ssyncset.s32 @!p0 $0xFFFFF086;
	s6 =	sadd.s32 @!p0 s3, s7;
	s7 =	simm.s32 @!p0 $0x108  }
0x21: {  	s3 =	sadd.s32 s3, s9;
	s6 =	sadd.s32 @!p0 $0x88, s6;
	s7 =	simm.s32 @p2 $0x1082  }
0x22: {  	[simem:s7], [sflag:s8] =	dma.local @!p0 [hbm:s6], $0xF7A  }
0x23: {  	s9 =	sor.u32 $0xD0000000, s2;
	s6 =	simm.s32 $0x108;
	_ =	swait.ge @!p0 [sflag:s8], $0x0  }
0x24: {  	s3 =	sadd.s32 $0x88, s3;
	s6 =	simm.s32 @!p1 $0x1082;
	[sflag:s4] =	ssyncset.s32 $0xFFFFF086  }
0x25: {  	[simem:s6], [sflag:s4] =	dma.local [hbm:s3], $0xF7A  }
0x26: {  	[smem:$0x3F9F] =	sst s1;
	(tag) =	ssettag s2;
	_ =	strace s9  }
0x27: {  	s1 =	sld [smem:$0x3FAF]  }
0x28: {  	s2 =	sld [smem:$0x3FB0]  }
0x29: {  	s4 =	sld [smem:$0x3FB2]  }
0x2a: {  	p0 =	seq.s32 s5, $0x0;
	s5 =	sld [smem:$0x3FB3]  }
0x2b: {  	s6 =	sld [smem:$0x3FB4]  }
0x2c: {  	s7 =	sld [smem:$0x3FB5]  }
0x2d: {  	s3 =	simm.s32 $0x108;
	s8 =	sld [smem:$0x3FB6]  }
0x2e: {  	s3 =	simm.s32 @!p0 $0x1082;
	s9 =	sld [smem:$0x3FB7]  }
0x2f: {  	lr =	sadd.s32 s0, s3;
	s0 =	sld [smem:$0x3FAE]  }
0x30: {  	s3 =	sld [smem:$0x3FB1]  }
0x31: {  	[smem:$0x3FBA] =	sst s10  }
0x32: {  	s10 =	sld [smem:$0x3FB8];
	_ =	sdelay $0x3  }
0x33: {  	p0 =	seq.s32 s10, $0x1;
	s10 =	sld [smem:$0x3FBA];
	_ =	sdelay $0x3  }
0x34: {  	[smem:$0x3FBA] =	sst s10  }
0x35: {  	s10 =	sld [smem:$0x3FB9];
	_ =	sdelay $0x3  }
0x36: {  	p1 =	seq.s32 s10, $0x1;
	s10 =	sld [smem:$0x3FBA];
	_ =	sdelay $0x3  }
0x37: {  	[smem:$0x3FBA] =	sst s10  }
0x38: {  	s10 =	sld [smem:$0x3FBB]  }
0x39: {  	_ = 	snop;
	(pc) =	sbr.ind lr, $3  }
0x3a: {  	_ = 	snop  }
0x3b: {  	_ = 	snop  }
0x3c: {  	p2 =	seq.s32 s10, $0x1;
	s10 =	sld [smem:$0x3FBA]  }
0x3d: {  	_ =	shalt  }
0x3e: {  	_ =	shalt  }
0x3f: {  	_ =	shalt  }
0x40: {  	_ =	shalt  }
0x41: {  	_ =	shalt  }
0x42: {  	_ =	shalt  }
0x43: {  	_ =	shalt  }
0x44: {  	_ =	shalt  }
0x45: {  	_ =	shalt  }
0x46: {  	_ =	shalt  }
0x47: {  	_ =	shalt  }
0x48: {  	_ =	shalt  }
0x49: {  	_ =	shalt  }
0x4a: {  	_ =	shalt  }
0x4b: {  	_ =	shalt  }
0x4c: {  	_ =	shalt  }
0x4d: {  	_ =	shalt  }
0x4e: {  	_ =	shalt  }
0x4f: {  	_ =	shalt  }
0x50: {  	_ =	shalt  }
0x51: {  	_ =	shalt  }
0x52: {  	_ =	shalt  }
0x53: {  	_ =	shalt  }
0x54: {  	_ =	shalt  }
0x55: {  	_ =	shalt  }
0x56: {  	_ =	shalt  }
0x57: {  	_ =	shalt  }
0x58: {  	_ =	shalt  }
0x59: {  	_ =	shalt  }
0x5a: {  	_ =	shalt  }
0x5b: {  	_ =	shalt  }
0x5c: {  	_ =	shalt  }
0x5d: {  	_ =	shalt  }
0x5e: {  	_ =	shalt  }
0x5f: {  	_ =	shalt  }
0x60: {  	_ =	shalt  }
0x61: {  	_ =	shalt  }
0x62: {  	_ =	shalt  }
0x63: {  	_ =	shalt  }
0x64: {  	_ =	shalt  }
0x65: {  	_ =	shalt  }
0x66: {  	_ =	shalt  }
0x67: {  	_ =	shalt  }
0x68: {  	_ =	shalt  }
0x69: {  	_ =	shalt  }
0x6a: {  	_ =	shalt  }
0x6b: {  	_ =	shalt  }
0x6c: {  	_ =	shalt  }
0x6d: {  	_ =	shalt  }
0x6e: {  	_ =	shalt  }
0x6f: {  	_ =	shalt  }
0x70: {  	_ =	shalt  }
0x71: {  	_ =	shalt  }
0x72: {  	_ =	shalt  }
0x73: {  	_ =	shalt  }
0x74: {  	_ =	shalt  }
0x75: {  	_ =	shalt  }
0x76: {  	_ =	shalt  }
0x77: {  	_ =	shalt  }
0x78: {  	_ =	shalt  }
0x79: {  	_ =	shalt  }
0x7a: {  	_ =	shalt  }
0x7b: {  	_ =	shalt  }
0x7c: {  	_ =	shalt  }
0x7d: {  	_ =	shalt  }
0x7e: {  	_ =	shalt  }
0x7f: {  	_ =	shalt  }
0x80: {  	_ =	shalt  }
0x81: {  	_ =	shalt  }
0x82: {  	_ =	shalt  }
0x83: {  	_ =	shalt  }
0x84: {  	_ =	shalt  }
0x85: {  	_ =	shalt  }
0x86: {  	_ =	shalt  }
0x87: {  	_ =	shalt  }
.Lfunc_end0:
.L_simem_size_0:
called_computation_lowered:
.L_overlay_start_0:
0x88: {  	s2 =	sld [smem:$0x3FD9]  }
0x89: {  	s3 =	sld [smem:$0x3FFE];
	_ =	sdelay $0x1  }
0x8a: {  	s1 =	srdreg.scid  }
0x8b: {  	s0 =	sand.u32 $0x1, s1  }
0x8c: {  	s16 =	sshll.u32 s0, $0xA;
	s2 =	sadd.s32 s3, s2  }
0x8d: {  	s2 =	sadd.s32 s2, s16  }
0x8e: {  	[smem:$0x3FC6] =	sst s2  }
0x8f: {  	_ = 	snop  }
0x90: {  	(tm) =	ssettm $0x1  }
0x91: {  	s17 =	sld [smem:$0x3FFB];
	_ =	sdelay $0x3  }
0x92: {  	_ =	strace s17  }
0x93: {  	s2 =	sld [smem:$0x3FFC];
	_ =	sdelay $0x3  }
0x94: {  	_ =	strace s2  }
0x95: {  	s2 =	sld [smem:$0x3FFD];
	_ =	sdelay $0x3  }
0x96: {  	_ =	strace s2  }
0x97: {  	_ =	strace $0x8FFFFFFF  }
0x98: {  	s18 =	sld [smem:$0x3FDB];
	_ =	sdelay $0x1  }
0x99: {  	s19 =	simm.s32 $_scs_section_size  }
0x9a: {  	s4 =	simm.s32 $_size__tile_overlayer_lowered;
	s5 =	simm.s32 $_tile_overlayer_lowered  }
0x9b: {  	s22 =	simm.s32 $0x1BFF;
	s21 =	sshll.u32 s5, $0x1;
	s2 =	sadd.s32 s19, s18  }
0x9c: {  	s6 =	simm.s32 $0x0;
	s20 =	sshll.u32 s4, $0x1;
	s4 =	sadd.s32 s21, s2  }
0x9d: {  	[timem:s6], [sflag:s22] =	dma.local [hbm:s4], s20  }
0x9e: {  	_ =	swait.ge [sflag:s22], s20  }
0x9f: {  	s3 =	ssub.s32 $0x0, s20;
	[sflag:s22] =	ssyncset.done $0x0  }
0xa0: {  	[sflag:s22] =	ssyncadd.s32 s3;
	_ =	sdelay $0x1  }
0xa1: {  	s23 =	simm.s32 $0x1B8B  }
0xa2: {  	_ =	swait.ge [sflag:s23], $0x1  }
0xa3: {  	[sflag:s23] =	ssyncset.done $0x0  }
0xa4: {  	s25 =	simm.s32 $0x1B8E;
	s24 =	sld [smem:$0x3FFE];
	[sflag:s23] =	ssyncadd.s32 $0xFFFFFFFF  }
0xa5: {  	s26 =	simm.s32 $execute0_lowered;
	[smem:$0x3FD2] =	sst s25  }
0xa6: {  	s4 =	sshll.u32 s26, $0x1;
	_ =	strace $0x80000046;
	[dreg:$0x1] =	wrdreg $0xFFFFFFFF  }
0xa7: {  	s28 =	simm.s32 $_size_execute0_lowered;
	s2 =	sadd.s32 s2, s4;
	[dreg:$0x0] =	wrdreg $0x0  }
0xa8: {  	s4 =	sshll.u32 s28, $0x1;
	[dreg:$0x2] =	wrdreg s2  }
0xa9: {  	[dreg:$0x3] =	wrdreg s4  }
0xaa: {  	[dreg:$0x4] =	wrdreg $0xC0  }
0xab: {  	_ =	task [dreg:s6], $0x5FFFF  }
0xac: {  	[dreg:$0x1] =	wrdreg $0xFFFFFFFF  }
0xad: {  	[dreg:$0x0] =	wrdreg $0x60  }
0xae: {  	[dreg:$0x2] =	wrdreg s24  }
0xaf: {  	[dreg:$0x3] =	wrdreg $0x9  }
0xb0: {  	_ =	task.clear_ibuf [dreg:s6], $0x4FFFF;
	_ =	strace $0x90000046  }
0xb1: {  	s29 =	simm.s32 $0x9;
	_ =	strace $0x80000048  }
0xb2: {  	_ =	swait.ge [sflag:s29], $0x1  }
0xb3: {  	[sflag:s29] =	ssyncadd.s32 $0xFFFFFFFF  }
0xb4: {  	_ =	strace $0x90000048  }
0xb5: {  	_ =	sfence  }
0xb6: {  	s30 =	sld [smem:$0x0];
	_ =	sdelay $0x2  }
0xb7: {  	s31 =	sshll.u32 s1, $0xD;
	s1 =	sshrl.u32 s1, $0x2  }
0xb8: {  	s3 =	sand.u32 $0x4000, s31;
	s1 =	sadd.s32 s1, s30  }
0xb9: {  	s0 =	sor.u32 s3, s0;
	s1 =	sshll.u32 s1, $0x11  }
0xba: {  	s0 =	sor.u32 s1, s0  }
0xbb: {  	s0 =	sadd.s32 $0x8F2B, s0  }
0xbc: {  	[sflag:s0] =	ssyncadd.remote.s32 $0x1  }
0xbd: {  	_ =	sfence.sel $0xFFFF  }
0xbe: {  	[dreg:$0x0] =	wrdreg $0xFFFFFFFF;
	(pc) =	sbr.abs _section_cstart, $3  }
0xbf: {  	[dreg:$0x1] =	wrdreg $0xFFFFFFFF  }
0xc0: {  	_ =	task.clear_ibuf [dreg:s6], $0x2FFFF;
	_ =	strace $0x9FFFFFFF  }
0xc1: {  	(tm) =	ssettm $0x7FFFFFFF  }
tec
execute0_lowered:
.L_overlay_start_1:
0x0: {  	(tag) =	ssettag $0x1  }
0x1: {  	s0 =	srdreg.scid  }
0x2: {  	s3 =	sand.u32 $0x1, s0;
	s0 =	stileid.u32  }
0x3: {  	s4 =	sor.u32 s0, s3  }
0x4: {  	p0 =	sne.s32 s4, $0x0  }
.Ltmp0:
0x5: {  	_ = 	snop;
	(pc) =	sbr.rel @!p0 .LBB2_1-.Ltmp0, $3  }
0x6: {  	_ =	sdelay $0x1  }
0x7: {  	s2 =	rddreg [dreg:$0x0]  }
0x8: {  	s1 =	rddreg [dreg:$0x1];
	_ =	strace $0x80000047  }
.LBB2_27:
0x9: {  	_ =	sfence.sel $0x180000  }
0xa: {  	[bflag:$0x0] =	sbarrier.arrive $0xFFFF  }
0xb: {  	p0 =	sne.s32 s0, $0x0;
	_ =	strace $0x90000047  }
0xc: {  	s0 =	sadd.s32 @!p0 $0x100000, s1;
	[bflag:$0x2] =	sbarrier.arrive $0xFFFF  }
0xd: {  	[sflag:s0] =	ssyncadd.tile.s32 @!p0 $0x1;
	_ =	shalt  }
.LBB2_1:
.Ltmp1:
0xe: {  	(pc) =	sbr.rel .LBB2_2-.Ltmp1, $4  }
0xf: {  	_ = 	snop  }
0x10: {  	s4 =	ssub.s32 $0x2, s3;
	v0 =	vimm.f32 $-4.000000000e+00;
	s3 =	sadd.s32 $0x1000, s2  }
0x11: {  	v1 =	vimm.f32 $-2.000000000e+00;
	v2 =	vimm.f32 $4.000000000e+00;
	v3 =	vimm.f32 $-1.000000000e+09;
	s6 =	simm.s32 $0x1;
	s7 =	simm.s32 $0x7D80;
	s5 =	sshrl.u32 s4, $0x1  }
0x12: {  	vm0 =	vcmask $0x300;
	vm1 =	vmmov $0x1;
	v4 =	vlaneseq.u32;
	s8 =	simm.s32 $0x0;
	s4 =	ssub.s32 s4, s5;
	s5 =	simm.s32 $0x0  }
.LBB2_25:
0x13: {  	v7 =	vsel vm1, v7, v11  }
0x14: {  	v6 =	vsel vm1, v6, v10;
	[tilespmem:s9+$0x7E00] =	vst v7  }
0x15: {  	v5 =	vsel vm1, v5, v9;
	vm2 =	veq.s32 v4, $0x0;
	[tilespmem:s9+$0x7E80] =	vst v6  }
0x16: {  	[tilespmem:s9+$0x7F00] =	vst v5;
	v5 =	vsel vm2, $0xCE6E6B28, v8  }
0x17: {  	[tilespmem:s9+$0x7F80] =	vst v5  }
.LBB2_26:
0x18: {  	s8 =	sadd.s32 $0x1, s8  }
0x19: {  	p0 =	sne.s32 s8, s4  }
.Ltmp2:
0x1a: {  	_ = 	snop;
	(pc) =	sbr.rel @!p0 .LBB2_27-.Ltmp2, $4  }
0x1b: {  	[hbm4b:s3+s5] =	stream.linear.scatter [tilespmem:s7], [sflag:$0x1], $0x280, $0x38;
	[tilespmem:$0x8180] =	vst v63  }
0x1c: {  	_ =	swait.ge [sflag:s6], $0x280  }
0x1d: {  	[sflag:s6] =	ssyncset.done $0x0  }
0x1e: {  	[sflag:s6] =	ssyncadd.s32 $0xFFFFFD80  }
.LBB2_2:
0x1f: {  	[tilespmem:s5], [sflag:$0x1] =	stream.linear.gather [hbm4b:s2+s5], $0x7880, $0x38;
	[tilespmem:$0x8180] =	vst v63  }
0x20: {  	_ =	swait.ge [sflag:s6], $0x7880  }
0x21: {  	[sflag:s6] =	ssyncset.done $0x0  }
0x22: {  	[sflag:s6] =	ssyncadd.s32 $0xFFFF8780  }
0x23: {  	[tilespmem:$0x7880] =	vst v0  }
0x24: {  	[tilespmem:$0x7900] =	vst v0  }
0x25: {  	[tilespmem:$0x7980] =	vst v1  }
0x26: {  	[tilespmem:$0x7A00] =	vst v1  }
0x27: {  	[tilespmem:$0x7A80] =	vst v2  }
0x28: {  	[tilespmem:$0x7B00] =	vst v3  }
0x29: {  	[tilespmem:$0x7890] =	vst v0  }
0x2a: {  	[tilespmem:$0x7910] =	vst v0  }
0x2b: {  	[tilespmem:$0x7990] =	vst v1  }
0x2c: {  	[tilespmem:$0x7A10] =	vst v1  }
0x2d: {  	[tilespmem:$0x7A90] =	vst v2  }
0x2e: {  	[tilespmem:$0x7B10] =	vst v3  }
0x2f: {  	[tilespmem:$0x78A0] =	vst v0  }
0x30: {  	[tilespmem:$0x7920] =	vst v0  }
0x31: {  	[tilespmem:$0x79A0] =	vst v1  }
0x32: {  	[tilespmem:$0x7A20] =	vst v1  }
0x33: {  	[tilespmem:$0x7AA0] =	vst v2  }
0x34: {  	[tilespmem:$0x7B20] =	vst v3  }
0x35: {  	[tilespmem:$0x78B0] =	vst v0  }
0x36: {  	[tilespmem:$0x7930] =	vst v0  }
0x37: {  	[tilespmem:$0x79B0] =	vst v1  }
0x38: {  	[tilespmem:$0x7A30] =	vst v1  }
0x39: {  	[tilespmem:$0x7AB0] =	vst v2  }
0x3a: {  	[tilespmem:$0x7B30] =	vst v3  }
0x3b: {  	[tilespmem:$0x78C0] =	vst v0  }
0x3c: {  	[tilespmem:$0x7940] =	vst v0  }
0x3d: {  	[tilespmem:$0x79C0] =	vst v1  }
0x3e: {  	[tilespmem:$0x7A40] =	vst v1  }
0x3f: {  	[tilespmem:$0x7AC0] =	vst v2  }
0x40: {  	[tilespmem:$0x7B40] =	vst v3  }
0x41: {  	[tilespmem:$0x78D0] =	vst v0  }
0x42: {  	[tilespmem:$0x7950] =	vst v0  }
0x43: {  	[tilespmem:$0x79D0] =	vst v1  }
0x44: {  	[tilespmem:$0x7A50] =	vst v1  }
0x45: {  	[tilespmem:$0x7AD0] =	vst v2  }
0x46: {  	[tilespmem:$0x7B50] =	vst v3  }
0x47: {  	[tilespmem:$0x78E0] =	vst v0  }
0x48: {  	[tilespmem:$0x7960] =	vst v0  }
0x49: {  	[tilespmem:$0x79E0] =	vst v1  }
0x4a: {  	[tilespmem:$0x7A60] =	vst v1  }
0x4b: {  	[tilespmem:$0x7AE0] =	vst v2  }
0x4c: {  	[tilespmem:$0x7B60] =	vst v3  }
0x4d: {  	[tilespmem:$0x78F0] =	vst v0  }
.Ltmp3:
0x4e: {  	[tilespmem:$0x7970] =	vst v0;
	(pc) =	sbr.rel .LBB2_3-.Ltmp3, $4  }
0x4f: {  	[tilespmem:$0x79F0] =	vst v1  }
0x50: {  	[smem:$0x0] =	sst s5;
	[tilespmem:$0x7A70] =	vst v1  }
0x51: {  	s9 =	simm.s32 $0x0;
	s10 =	simm.s32 $0x0;
	[tilespmem:$0x7AF0] =	vst v2;
	[smem:$0x1] =	sst s5  }
0x52: {  	s11 =	simm.s32 $0x0;
	s12 =	simm.s32 $0x0;
	[tilespmem:$0x7B70] =	vst v3;
	[smem:$0x2] =	sst s5  }
.LBB2_20:
0x53: {  	v5 =	vld [tilespmem:s12+$0x7F];
	_ =	sdelay $0x4  }
0x54: {  	(v2sf) =	vpush v5, $0x0;
	_ =	sdelay $0xe  }
0x55: {  	s31 =	spop (v2sf)  }
0x56: {  	p0 =	sle.f32 s31, $-1.000000000e+08  }
0x57: {  	p1 =	sgt.s32 s9, $0x63  }
0x58: {  	p0 =	por !p1, !p0  }
0x59: {  	p6 =	sgt.s32 s10, $0x63;
	p0 =	por !p0, !p0  }
0x5a: {  	[smem:$0x0] =	sst s10;
	s12 =	simm.s32 $0x1;
	p0 =	por p6, p0  }
0x5b: {  	[smem:$0x1] =	sst s9;
	s12 =	simm.s32 @!p0 $0x0  }
0x5c: {  	[smem:$0x2] =	sst s12  }
.LBB2_21:
0x5d: {  	s11 =	sadd.s32 $0x1, s11  }
0x5e: {  	p0 =	sne.s32 s11, $0x28  }
.Ltmp4:
0x5f: {  	_ = 	snop;
	(pc) =	sbr.rel @!p0 .LBB2_22-.Ltmp4, $1  }
0x60: {  	_ =	sdelay $0x3  }
.LBB2_3:
0x61: {  	p0 =	sne.s32 s12, $0x0  }
.Ltmp5:
0x62: {  	_ = 	snop;
	(pc) =	sbr.rel @p0 .LBB2_21-.Ltmp5, $2  }
0x63: {  	_ =	sdelay $0x2  }
0x64: {  	s12 =	simm.s32 $0x1  }
.Ltmp6:
0x65: {  	(pc) =	sbr.rel .LBB2_5-.Ltmp6, $4  }
0x66: {  	_ = 	snop  }
0x67: {  	s12 =	sshll.u32 s11, $0x7  }
0x68: {  	s12 =	sand.u32 $0x3FFFFF80, s12  }
0x69: {  	s13 =	simm.s32 $0x0;
	v5 =	vmov s12  }
.LBB2_7:
0x6a: {  	v20 =	vimm.f32 $0.0e+00;
	v21 =	vmovc v16;
	v25 =	vmov v15;
	v22 =	vmov v14  }
.LBB2_18:
0x6b: {  	v24 =	vmul.f32 @p0 v26, v24;
	v21 =	vmax.f32 v21, v9  }
0x6c: {  	v25 =	vmax.f32 v25, v7;
	v60 =	vmin.f32 v27, v8;
	v13 =	vmin.f32 v13, v6  }
0x6d: {  	v21 =	vsub.f32 v60, v21;
	v13 =	vsub.f32 v13, v25  }
0x6e: {  	v17 =	vsub.f32 @p0 v17, v24  }
0x6f: {  	v21 =	vmax.f32 v21, $0.0e+00;
	v13 =	vmax.f32 v13, $0.0e+00  }
0x70: {  	v22 =	vadd.f32 v22, v11;
	v17 =	vadd.f32 @p0 $9.999999710e-10, v17;
	v13 =	vmul.f32 v13, v21  }
0x71: {  	(erf) = vrcp.f32 @p1 v19  }
0x72: {  	v17 =	vpsel p0, v17, v18;
	v61 =	vsub.f32 v22, v13  }
0x73: {  	(erf) = vrcp.f32 @p0 v17  }
0x74: {  	v62 =	vadd.f32 $9.999999710e-10, v61;
	_ =	sdelay $0x1  }
0x75: {  	v17 =	vpop @p2 (erf);
	(erf) = vrcp.f32 v62  }
0x76: {  	v17 =	vmul.f32 @p2 v17, v28;
	_ =	sdelay $0x1  }
0x77: {  	v17 =	vpsel p2, v17, v0  }
0x78: {  	v20 =	vmax.f32 @p3 v20, v23;
	v14 =	vpsel p1, v16, v14;
	v18 =	vmov @p0 v24;
	v19 =	vpop @p1 (erf)  }
0x79: {  	v16 =	vpsel p3, v20, v12;
	v15 =	vpsel p0, v18, v15;
	v14 =	vmul.f32 @p1 v19, v14  }
0x7a: {  	v15 =	vpsel p0, v15, v0;
	v16 =	vmax.f32 @p2 v16, v17;
	v17 =	vpop @p0 (erf)  }
0x7b: {  	v14 =	vpsel p1, v14, v0;
	v16 =	vpsel p2, v16, v12;
	v15 =	vmul.f32 @p0 v17, v15  }
0x7c: {  	v14 =	vmax.f32 @p1 v16, v14  }
0x7d: {  	v14 =	vpsel p1, v14, v12;
	v15 =	vpsel p0, v15, v0;
	v63 =	vpop (erf)  }
0x7e: {  	v14 =	vmax.f32 @p0 v14, v15;
	v13 =	vmul.f32 v63, v13  }
0x7f: {  	v12 =	vpsel p0, v14, v12  }
0x80: {  	v12 =	vmax.f32 v12, v13  }
.LBB2_19:
0x81: {  	(v2sf) =	vpush v12, $0x0  }
0x82: {  	(v2sf) =	vpush v12, $0x1  }
0x83: {  	(v2sf) =	vpush v12, $0x2  }
0x84: {  	(v2sf) =	vpush v12, $0x3  }
0x85: {  	(v2sf) =	vpush v12, $0x4  }
0x86: {  	(v2sf) =	vpush v12, $0x5  }
0x87: {  	(v2sf) =	vpush v12, $0x6  }
0x88: {  	(v2sf) =	vpush v12, $0x7  }
0x89: {  	(v2sf) =	vpush v12, $0x8  }
0x8a: {  	(v2sf) =	vpush v12, $0x9  }
0x8b: {  	(v2sf) =	vpush v12, $0xA  }
0x8c: {  	(v2sf) =	vpush v12, $0xB  }
0x8d: {  	(v2sf) =	vpush v12, $0xC  }
0x8e: {  	(v2sf) =	vpush v12, $0xD  }
0x8f: {  	(v2sf) =	vpush v12, $0xE  }
0x90: {  	s15 =	spop (v2sf);
	(v2sf) =	vpush v12, $0xF  }
0x91: {  	s16 =	spop (v2sf)  }
0x92: {  	s17 =	spop (v2sf)  }
0x93: {  	s18 =	spop (v2sf)  }
0x94: {  	s19 =	spop (v2sf)  }
0x95: {  	s20 =	spop (v2sf)  }
0x96: {  	s21 =	spop (v2sf)  }
0x97: {  	s22 =	spop (v2sf)  }
0x98: {  	s15 =	smax.f32 s15, s16;
	s23 =	spop (v2sf)  }
0x99: {  	s17 =	smax.f32 s17, s18;
	s24 =	spop (v2sf)  }
0x9a: {  	s15 =	smax.f32 s15, s17;
	s31 =	spop (v2sf)  }
0x9b: {  	s19 =	smax.f32 s19, s20;
	s25 =	spop (v2sf)  }
0x9c: {  	s21 =	smax.f32 s21, s22;
	s26 =	spop (v2sf)  }
0x9d: {  	s23 =	smax.f32 s23, s24;
	s28 =	spop (v2sf)  }
0x9e: {  	s16 =	smax.f32 s31, s25;
	s29 =	spop (v2sf)  }
0x9f: {  	s31 =	smax.f32 s19, s21;
	s30 =	spop (v2sf)  }
0xa0: {  	s20 =	smax.f32 s26, s28;
	s18 =	smax.f32 s29, s30  }
0xa1: {  	s16 =	smax.f32 s23, s16;
	s18 =	smax.f32 s20, s18  }
0xa2: {  	s15 =	smax.f32 s15, s31;
	s16 =	smax.f32 s16, s18  }
0xa3: {  	s15 =	smax.f32 s15, s16  }
0xa4: {  	p1 =	sgt.f32 s15, $5.000000000e-01;
	_ =	sdelay $0x1  }
0xa5: {  	p3 =	slt.s32 s10, $0x70;
	p0 =	por !p1, !p1  }
0xa6: {  	p2 =	sgt.f32 s14, $-1.000000000e+08;
	p0 =	por !p3, !p0  }
0xa7: {  	p0 =	por !p0, !p0  }
0xa8: {  	p0 =	por !p2, !p0  }
0xa9: {  	s14 =	simm.f32 $1.000000000e+00;
	v58 =	vld [tilespmem:s10+$0x7880];
	p0 =	por !p0, !p0  }
0xaa: {  	v62 =	vld [tilespmem:s10+$0x7A80];
	s14 =	simm.s32 @!p0 $0x0  }
0xab: {  	v63 =	vld [tilespmem:s10+$0x7B00];
	v13 =	vmov s14  }
0xac: {  	v59 =	vld [tilespmem:s10+$0x7900];
	v13 =	vnsel vm0, $0x0, v13  }
0xad: {  	v60 =	vld [tilespmem:s10+$0x7980];
	vm2 =	vgt.f32 v13, $0.0e+00  }
0xae: {  	v61 =	vld [tilespmem:s10+$0x7A00];
	v10 =	vbroadcast v10, $0x0;
	v12 =	vsel vm2, v9, v58  }
0xaf: {  	v11 =	vsel vm2, v11, v62;
	[tilespmem:s10+$0x7880] =	vst v12  }
0xb0: {  	v10 =	vsel vm2, v10, v63;
	[tilespmem:s10+$0x7A80] =	vst v11  }
0xb1: {  	v12 =	vsel vm2, v7, v59;
	[tilespmem:s10+$0x7B00] =	vst v10  }
0xb2: {  	s13 =	sadd.s32 $0x1, s13;
	s14 =	simm.s32 $0x1;
	[tilespmem:s10+$0x7900] =	vst v12;
	v12 =	vsel vm2, v8, v60  }
0xb3: {  	p2 =	por !p2, !p2;
	s14 =	simm.s32 @!p0 $0x0;
	p0 =	sne.s32 s13, $0x80;
	[tilespmem:s10+$0x7980] =	vst v12;
	v12 =	vsel vm2, v6, v61  }
.Ltmp7:
0xb4: {  	p6 =	slt.s32 s9, $0x64;
	p1 =	por p1, p2;
	[tilespmem:s10+$0x7A00] =	vst v12;
	(pc) =	sbr.rel @!p0 .LBB2_20-.Ltmp7, $4  }
0xb5: {  	p1 =	por !p6, !p1;
	[tilespmem:s9+$0x7B80] =	vst v9  }
0xb6: {  	s15 =	simm.s32 $0x1;
	p1 =	por !p1, !p1;
	[tilespmem:s9+$0x7C00] =	vst v7  }
0xb7: {  	s15 =	simm.s32 @!p1 $0x0;
	[tilespmem:s9+$0x7C80] =	vst v8  }
0xb8: {  	s10 =	sadd.s32 s14, s10;
	[tilespmem:s9+$0x7D00] =	vst v6;
	s9 =	sadd.s32 s15, s9  }
.LBB2_5:
0xb9: {  	_ =	sdelay $0x3  }
0xba: {  	v10 =	vld.idx.msk [tilespmem:v5+s13+$0x0 ss:$0x1], $0xffff  }
0xbb: {  	v6 =	vld.idx.msk [tilespmem:v5+s13+$0x1410 ss:$0x1], $0xffff;
	_ =	sdelay $0x3  }
0xbc: {  	(v2sf) =	vpush v10, $0x0  }
0xbd: {  	(v2sf) =	vpush v6, $0x0;
	_ =	sdelay $0xd  }
0xbe: {  	s14 =	spop (v2sf)  }
0xbf: {  	s15 =	spop (v2sf)  }
0xc0: {  	s15 =	scvt.f32.s32 s15;
	_ =	sdelay $0x1  }
0xc1: {  	s16 =	sadd.s32 $0xF, s10;
	v9 =	vld.msk [tilespmem:s15+$0x2820 ss:$0x0], $0xffff  }
0xc2: {  	s30 =	sand.u32 $0xF, s16;
	v7 =	vld.msk [tilespmem:s15+$0x3C30 ss:$0x0], $0xffff  }
0xc3: {  	s31 =	sshra.s32 s16, $0x1F;
	p1 =	slt.s32 s16, $0x1;
	p0 =	sne.s32 s30, $0x0;
	v8 =	vld.msk [tilespmem:s15+$0x5040 ss:$0x0], $0xffff  }
0xc4: {  	p0 =	por !p1, !p0;
	v6 =	vld.msk [tilespmem:s15+$0x6450 ss:$0x0], $0xffff;
	s15 =	sshrl.u32 s31, $0x1C  }
0xc5: {  	p0 =	por !p0, !p0;
	s15 =	sadd.s32 s15, s16;
	s16 =	simm.s32 $0x1  }
0xc6: {  	s15 =	sshra.s32 s15, $0x4;
	s16 =	simm.s32 @!p0 $0x0  }
0xc7: {  	s15 =	ssub.s32 s15, s16  }
0xc8: {  	p0 =	slt.s32 s15, $0x1  }
.Ltmp8:
0xc9: {  	_ = 	snop;
	(pc) =	sbr.rel @p0 .LBB2_19-.Ltmp8, $3  }
0xca: {  	_ = 	snop  }
0xcb: {  	v11 =	vsub.f32 v8, v9;
	v12 =	vsub.f32 v6, v7;
	_ =	sdelay $0x1  }
0xcc: {  	v11 =	vmul.f32 v12, v11;
	v12 =	vimm.f32 $0.0e+00  }
0xcd: {  	s16 =	simm.s32 $0x7880  }
0xce: {  	s17 =	simm.s32 $0x7900;
	v16 =	vld [tilespmem:s16+$0x0]  }
0xcf: {  	s30 =	simm.s32 $0x7980;
	v15 =	vld [tilespmem:s17+$0x0]  }
0xd0: {  	s18 =	simm.s32 $0x7A80;
	p4 =	sne.s32 s15, $0x1;
	v27 =	vld [tilespmem:s30+$0x0]  }
.Ltmp9:
0xd1: {  	s31 =	simm.s32 $0x7A00;
	v14 =	vld [tilespmem:s18+$0x0];
	(pc) =	sbr.rel @!p4 .LBB2_7-.Ltmp9, $3  }
0xd2: {  	v13 =	vld [tilespmem:s31+$0x0];
	_ =	sdelay $0x1  }
0xd3: {  	s15 =	sadd.s32 $0xFFFFFFFF, s15;
	p0 =	por $0x0, $0x0;
	p1 =	por $0x0, $0x0  }
0xd4: {  	p2 =	por $0x0, $0x0;
	p3 =	por $0x0, $0x0;
	s16 =	simm.s32 $0x7890  }
0xd5: {  	v21 =	vld [tilespmem:s16+$0x0];
	s28 =	simm.s32 $0x7910  }
0xd6: {  	s29 =	simm.s32 $0x7990;
	p4 =	sne.s32 s15, $0x1;
	v25 =	vld [tilespmem:s28+$0x0]  }
.Ltmp10:
0xd7: {  	v15 =	vmax.f32 v15, v7;
	v17 =	vmin.f32 v27, v8;
	s30 =	simm.s32 $0x7A10;
	v13 =	vmin.f32 v13, v6;
	v27 =	vld [tilespmem:s29+$0x0];
	(pc) =	sbr.rel @!p4 .LBB2_9-.Ltmp10, $4  }
0xd8: {  	v16 =	vmax.f32 v16, v9;
	v15 =	vsub.f32 v13, v15;
	v13 =	vld [tilespmem:s30+$0x0]  }
0xd9: {  	v16 =	vsub.f32 v17, v16  }
0xda: {  	s31 =	simm.s32 $0x7A90  }
0xdb: {  	s15 =	sadd.s32 $0xFFFFFFFF, s15;
	s16 =	simm.s32 $0x78A0;
	p0 =	por $0x1, $0x1;
	v22 =	vld [tilespmem:s31+$0x0];
	v17 =	vadd.f32 v14, v11;
	v24 =	vmax.f32 v16, $0.0e+00;
	v26 =	vmax.f32 v15, $0.0e+00  }
0xdc: {  	s28 =	simm.s32 $0x7920  }
0xdd: {  	v14 =	vmul.f32 v26, v24;
	v16 =	vmax.f32 v25, v7;
	s29 =	simm.s32 $0x79A0;
	p4 =	sne.s32 s15, $0x1;
	v25 =	vld [tilespmem:s28+$0x0]  }
.Ltmp11:
0xde: {  	v15 =	vmax.f32 v21, v9;
	v19 =	vmin.f32 v27, v8;
	s30 =	simm.s32 $0x7A20;
	v13 =	vmin.f32 v13, v6;
	v27 =	vld [tilespmem:s29+$0x0];
	(pc) =	sbr.rel @!p4 .LBB2_11-.Ltmp11, $4  }
0xdf: {  	v15 =	vsub.f32 v19, v15;
	v16 =	vsub.f32 v13, v16;
	v13 =	vld [tilespmem:s30+$0x0]  }
0xe0: {  	v17 =	vsub.f32 v17, v14  }
0xe1: {  	v18 =	vld [tilespmem:s16+$0x0];
	s31 =	simm.s32 $0x7AA0;
	v24 =	vmax.f32 v15, $0.0e+00  }
0xe2: {  	s15 =	sadd.s32 $0xFFFFFFFF, s15;
	s16 =	simm.s32 $0x78B0;
	p1 =	por $0x1, $0x1;
	v29 =	vld [tilespmem:s31+$0x0];
	v19 =	vadd.f32 $9.999999710e-10, v17;
	v26 =	vmax.f32 v16, $0.0e+00;
	v17 =	vadd.f32 v22, v11  }
0xe3: {  	_ = 	snop  }
0xe4: {  	v15 =	vmul.f32 v26, v24;
	v21 =	vld [tilespmem:s16+$0x0];
	s29 =	simm.s32 $0x79B0  }
0xe5: {  	s28 =	simm.s32 $0x7930;
	v20 =	vmin.f32 v27, v8;
	p4 =	sne.s32 s15, $0x1;
	v13 =	vmin.f32 v13, v6;
	v27 =	vld [tilespmem:s29+$0x0]  }
.Ltmp12:
0xe6: {  	s30 =	simm.s32 $0x7A30;
	v17 =	vsub.f32 v17, v15;
	v16 =	vmax.f32 v18, v9;
	v18 =	vmax.f32 v25, v7;
	v25 =	vld [tilespmem:s28+$0x0];
	(pc) =	sbr.rel @!p4 .LBB2_13-.Ltmp12, $3  }
0xe7: {  	v16 =	vsub.f32 v20, v16;
	v20 =	vsub.f32 v13, v18;
	v13 =	vld [tilespmem:s30+$0x0];
	_ =	sdelay $0x1  }
0xe8: {  	s31 =	simm.s32 $0x7AB0;
	(erf) = vrcp.f32 v19;
	v18 =	vadd.f32 $9.999999710e-10, v17  }
0xe9: {  	s19 =	sadd.s32 $0xFFFFFFFF, s15;
	s15 =	simm.s32 $0x78C0;
	p2 =	por $0x1, $0x1;
	v22 =	vld [tilespmem:s31+$0x0];
	v17 =	vadd.f32 v29, v11;
	v24 =	vmax.f32 v16, $0.0e+00;
	v26 =	vmax.f32 v20, $0.0e+00  }
0xea: {  	_ =	sdelay $0x2  }
0xeb: {  	v16 =	vmul.f32 v26, v24;
	v30 =	vld [tilespmem:s15+$0x0];
	s15 =	simm.s32 $0x7940;
	v19 =	vmax.f32 v21, v9  }
0xec: {  	v20 =	vmax.f32 v25, v7;
	v21 =	vmin.f32 v27, v8;
	s16 =	simm.s32 $0x79C0;
	(erf) = vrcp.f32 v18;
	p4 =	sne.s32 s19, $0x1;
	v25 =	vld [tilespmem:s15+$0x0]  }
.Ltmp13:
0xed: {  	s17 =	simm.s32 $0x7A40;
	v13 =	vmin.f32 v13, v6;
	v21 =	vsub.f32 v21, v19;
	v27 =	vld [tilespmem:s16+$0x0];
	(pc) =	sbr.rel @!p4 .LBB2_15-.Ltmp13, $4  }
0xee: {  	v17 =	vsub.f32 v17, v16;
	v20 =	vsub.f32 v13, v20;
	v13 =	vld [tilespmem:s17+$0x0]  }
0xef: {  	v23 =	vpop (erf)  }
0xf0: {  	s18 =	simm.s32 $0x7AC0;
	v24 =	vmax.f32 v21, $0.0e+00;
	v19 =	vadd.f32 $9.999999710e-10, v17;
	v23 =	vmul.f32 v23, v14  }
0xf1: {  	s19 =	sadd.s32 $0xFFFFFFFF, s19;
	s20 =	simm.s32 $0x78D0;
	p3 =	por $0x1, $0x1;
	v28 =	vmovc v15;
	v29 =	vld [tilespmem:s18+$0x0];
	v26 =	vmax.f32 v20, $0.0e+00;
	v17 =	vadd.f32 v22, v11;
	v20 =	vimm.f32 $0.0e+00  }
.LBB2_16:
0xf2: {  	v21 =	vld [tilespmem:s20+$0x0];
	s15 =	sadd.s32 $0x10, s15;
	v22 =	vmul.f32 v26, v24;
	(erf) = vrcp.f32 v19;
	v20 =	vmax.f32 v20, v23;
	p4 =	sne.s32 s19, $0x1  }
.Ltmp14:
0xf3: {  	v19 =	vmax.f32 v30, v9;
	v30 =	vmax.f32 v25, v7;
	s16 =	sadd.s32 $0x10, s16;
	v25 =	vld [tilespmem:s15+$0x0];
	(pc) =	sbr.rel @p4 .LBB2_16-.Ltmp14, $4  }
0xf4: {  	s17 =	sadd.s32 $0x10, s17;
	v24 =	vmin.f32 v27, v8;
	v27 =	vld [tilespmem:s16+$0x0];
	v26 =	vmin.f32 v13, v6;
	v17 =	vsub.f32 v17, v22  }
0xf5: {  	s19 =	sadd.s32 $0xFFFFFFFF, s19;
	v24 =	vsub.f32 v24, v19;
	v13 =	vld [tilespmem:s17+$0x0];
	v26 =	vsub.f32 v26, v30;
	v23 =	vpop (erf)  }
0xf6: {  	s18 =	sadd.s32 $0x10, s18;
	v19 =	vadd.f32 $9.999999710e-10, v17;
	v23 =	vmul.f32 v23, v28;
	v28 =	vmovc v16;
	v16 =	vmov v22  }
0xf7: {  	s20 =	sadd.s32 $0x10, s20;
	v24 =	vmax.f32 v24, $0.0e+00;
	v17 =	vadd.f32 v29, v11;
	v26 =	vmax.f32 v26, $0.0e+00;
	v29 =	vld [tilespmem:s18+$0x0];
	v30 =	vmovc v21  }
.Ltmp15:
0xf8: {  	_ = 	snop;
	(pc) =	sbr.rel .LBB2_18-.Ltmp15, $2  }
0xf9: {  	_ =	sdelay $0x2  }
0xfa: {  	v21 =	vmov v30;
	v22 =	vmov v29  }
.LBB2_9:
.Ltmp16:
0xfb: {  	(pc) =	sbr.rel .LBB2_18-.Ltmp16, $2  }
0xfc: {  	_ =	sdelay $0x2  }
0xfd: {  	v20 =	vimm.f32 $0.0e+00  }
.LBB2_11:
.Ltmp17:
0xfe: {  	_ = 	snop;
	(pc) =	sbr.rel .LBB2_18-.Ltmp17, $2  }
0xff: {  	_ =	sdelay $0x2  }
0x100: {  	v16 =	vmovc v14;
	v20 =	vimm.f32 $0.0e+00;
	v21 =	vmov v18;
	v22 =	vmov v29  }
.LBB2_13:
.Ltmp18:
0x101: {  	(pc) =	sbr.rel .LBB2_18-.Ltmp18, $2  }
0x102: {  	_ =	sdelay $0x2  }
0x103: {  	v19 =	vmovc v18;
	v20 =	vimm.f32 $0.0e+00;
	v28 =	vmov v14;
	v16 =	vmov v15  }
.LBB2_15:
.Ltmp19:
0x104: {  	_ = 	snop;
	(pc) =	sbr.rel .LBB2_18-.Ltmp19, $2  }
0x105: {  	_ =	sdelay $0x2  }
0x106: {  	v20 =	vimm.f32 $0.0e+00;
	v21 =	vmovc v30;
	v28 =	vmov v15;
	v22 =	vmov v29  }
.LBB2_22:
0x107: {  	v5 =	vld [tilespmem:$0x7880]  }
0x108: {  	v6 =	vld [tilespmem:$0x7900]  }
0x109: {  	v7 =	vld [tilespmem:$0x7980]  }
0x10a: {  	v8 =	vld [tilespmem:$0x7A00]  }
0x10b: {  	v9 =	vld [tilespmem:$0x7B00]  }
0x10c: {  	v50 =	vld [tilespmem:$0x7A10];
	[tilespmem:$0x7D80] =	vst v5  }
0x10d: {  	v51 =	vld [tilespmem:$0x7B10];
	[tilespmem:$0x7E00] =	vst v6  }
0x10e: {  	v5 =	vld [tilespmem:$0x7890];
	[tilespmem:$0x7E80] =	vst v7  }
0x10f: {  	v6 =	vld [tilespmem:$0x7910];
	[tilespmem:$0x7F00] =	vst v8  }
0x110: {  	v7 =	vld [tilespmem:$0x7990];
	[tilespmem:$0x7F80] =	vst v9  }
0x111: {  	v52 =	vld [tilespmem:$0x7A20];
	[tilespmem:$0x7F10] =	vst v50  }
0x112: {  	v53 =	vld [tilespmem:$0x7B20];
	[tilespmem:$0x7F90] =	vst v51  }
0x113: {  	[tilespmem:$0x7D90] =	vst v5;
	v5 =	vld [tilespmem:$0x78A0]  }
0x114: {  	[tilespmem:$0x7E10] =	vst v6;
	v6 =	vld [tilespmem:$0x7920]  }
0x115: {  	[tilespmem:$0x7E90] =	vst v7;
	v7 =	vld [tilespmem:$0x79A0]  }
0x116: {  	v54 =	vld [tilespmem:$0x7A30];
	[tilespmem:$0x7F20] =	vst v52  }
0x117: {  	v55 =	vld [tilespmem:$0x7B30];
	[tilespmem:$0x7FA0] =	vst v53  }
0x118: {  	[tilespmem:$0x7DA0] =	vst v5;
	v5 =	vld [tilespmem:$0x78B0]  }
0x119: {  	[tilespmem:$0x7E20] =	vst v6;
	v6 =	vld [tilespmem:$0x7930]  }
0x11a: {  	[tilespmem:$0x7EA0] =	vst v7;
	v7 =	vld [tilespmem:$0x79B0]  }
0x11b: {  	v56 =	vld [tilespmem:$0x7A40];
	[tilespmem:$0x7F30] =	vst v54  }
0x11c: {  	v57 =	vld [tilespmem:$0x7B40];
	[tilespmem:$0x7FB0] =	vst v55  }
0x11d: {  	[tilespmem:$0x7DB0] =	vst v5;
	v5 =	vld [tilespmem:$0x78C0]  }
0x11e: {  	[tilespmem:$0x7E30] =	vst v6;
	v6 =	vld [tilespmem:$0x7940]  }
0x11f: {  	[tilespmem:$0x7EB0] =	vst v7;
	v7 =	vld [tilespmem:$0x79C0]  }
0x120: {  	v58 =	vld [tilespmem:$0x7A50];
	[tilespmem:$0x7F40] =	vst v56  }
0x121: {  	v59 =	vld [tilespmem:$0x7B50];
	[tilespmem:$0x7FC0] =	vst v57  }
0x122: {  	[tilespmem:$0x7DC0] =	vst v5;
	v5 =	vld [tilespmem:$0x78D0]  }
0x123: {  	[tilespmem:$0x7E40] =	vst v6;
	v6 =	vld [tilespmem:$0x7950]  }
0x124: {  	[tilespmem:$0x7EC0] =	vst v7;
	v7 =	vld [tilespmem:$0x79D0]  }
0x125: {  	v60 =	vld [tilespmem:$0x7A60];
	[tilespmem:$0x7F50] =	vst v58  }
0x126: {  	v61 =	vld [tilespmem:$0x7B60];
	[tilespmem:$0x7FD0] =	vst v59  }
0x127: {  	[tilespmem:$0x7DD0] =	vst v5;
	v5 =	vld [tilespmem:$0x78E0]  }
0x128: {  	[tilespmem:$0x7E50] =	vst v6;
	v6 =	vld [tilespmem:$0x7960]  }
0x129: {  	[tilespmem:$0x7ED0] =	vst v7;
	v7 =	vld [tilespmem:$0x79E0]  }
0x12a: {  	v62 =	vld [tilespmem:$0x7A70];
	[tilespmem:$0x7F60] =	vst v60  }
0x12b: {  	v63 =	vld [tilespmem:$0x7B70];
	s9 =	sld [smem:$0x0];
	[tilespmem:$0x7FE0] =	vst v61  }
0x12c: {  	[tilespmem:$0x7DE0] =	vst v5;
	v5 =	vld [tilespmem:$0x78F0]  }
0x12d: {  	[tilespmem:$0x7E60] =	vst v6;
	v6 =	vld [tilespmem:$0x7970]  }
0x12e: {  	p0 =	sgt.s32 s9, $0x63;
	[tilespmem:$0x7EE0] =	vst v7;
	v7 =	vld [tilespmem:$0x79F0]  }
.Ltmp20:
0x12f: {  	[tilespmem:$0x7F70] =	vst v62;
	(pc) =	sbr.rel @p0 .LBB2_26-.Ltmp20, $4  }
0x130: {  	[tilespmem:$0x7FF0] =	vst v63  }
0x131: {  	[tilespmem:$0x7DF0] =	vst v5  }
0x132: {  	[tilespmem:$0x7E70] =	vst v6  }
0x133: {  	[tilespmem:$0x7EF0] =	vst v7  }
0x134: {  	s10 =	sshll.u32 s9, $0x2  }
0x135: {  	s11 =	simm.s32 $0x7B80;
	s10 =	sshra.s32 s10, $0x2  }
0x136: {  	v9 =	vld [tilespmem:s11+$0x0];
	s10 =	sadd.s32 $0x7D80, s10  }
0x137: {  	v8 =	vld [tilespmem:s10+$0x0];
	_ =	sdelay $0x2  }
0x138: {  	s12 =	simm.s32 $0x7D00  }
0x139: {  	s13 =	simm.s32 $0x7C80;
	v5 =	vld [tilespmem:s12+$0x0]  }
0x13a: {  	s12 =	simm.s32 $0x7C00;
	v6 =	vld [tilespmem:s13+$0x0];
	v8 =	vsel vm1, v9, v8  }
0x13b: {  	p0 =	sne.s32 s9, $0x63;
	v7 =	vld [tilespmem:s12+$0x0];
	[tilespmem:s10+$0x0] =	vst v8  }
.Ltmp21:
0x13c: {  	v11 =	vld [tilespmem:s9+$0x7E00];
	(pc) =	sbr.rel @!p0 .LBB2_25-.Ltmp21, $4  }
0x13d: {  	v10 =	vld [tilespmem:s9+$0x7E80]  }
0x13e: {  	v9 =	vld [tilespmem:s9+$0x7F00]  }
0x13f: {  	v8 =	vld [tilespmem:s9+$0x7F80]  }
0x140: {  	s14 =	simm.s32 $0x7C81;
	s15 =	simm.s32 $0x7D01;
	s13 =	sadd.s32 $0x1, s9  }
.LBB2_24:
0x141: {  	s10 =	sadd.s32 $0x1, s10;
	s11 =	sadd.s32 $0x1, s11;
	s12 =	sadd.s32 $0x1, s12  }
0x142: {  	p0 =	sne.s32 s13, $0x63;
	v7 =	vsel vm1, v7, v11;
	s16 =	smov.u32 s13;
	s13 =	sadd.s32 $0x1, s13  }
0x143: {  	v6 =	vsel vm1, v6, v10;
	[tilespmem:s9+$0x7E00] =	vst v7  }
0x144: {  	v5 =	vsel vm1, v5, v9;
	vm2 =	veq.s32 v4, $0x0;
	[tilespmem:s9+$0x7E80] =	vst v6  }
0x145: {  	[tilespmem:s9+$0x7F00] =	vst v5;
	v5 =	vsel vm2, $0xCE6E6B28, v8  }
0x146: {  	[tilespmem:s9+$0x7F80] =	vst v5;
	s9 =	smov.u32 s16  }
0x147: {  	v8 =	vld [tilespmem:s10+$0x0]  }
0x148: {  	v9 =	vld [tilespmem:s11+$0x0];
	_ =	sdelay $0x2  }
0x149: {  	v5 =	vld [tilespmem:s15+$0x0]  }
0x14a: {  	v6 =	vld [tilespmem:s14+$0x0]  }
0x14b: {  	v7 =	vld [tilespmem:s12+$0x0];
	v8 =	vsel vm1, v9, v8  }
.Ltmp22:
0x14c: {  	[tilespmem:s10+$0x0] =	vst v8;
	(pc) =	sbr.rel @p0 .LBB2_24-.Ltmp22, $4  }
0x14d: {  	v11 =	vld [tilespmem:s9+$0x7E00]  }
0x14e: {  	v10 =	vld [tilespmem:s9+$0x7E80]  }
0x14f: {  	v9 =	vld [tilespmem:s9+$0x7F00]  }
0x150: {  	s15 =	sadd.s32 $0x1, s15;
	s14 =	sadd.s32 $0x1, s14;
	v8 =	vld [tilespmem:s9+$0x7F80]  }
.Ltmp23:
0x151: {  	_ = 	snop;
	(pc) =	sbr.rel .LBB2_25-.Ltmp23, $1  }
0x152: {  	_ =	sdelay $0x3  }
.Lfunc_end2:
_tile_overlayer_lowered:
.L_overlay_start_2:
0x153: {  	(tag) =	ssettag $0x2  }
0x154: {  	s0 =	rddreg [dreg:$0x0];
	s2 =	stileid.u32  }
0x155: {  	s1 =	rddreg [dreg:$0x1];
	p0 =	sne.s32 s2, $0x0  }
0x156: {  	s3 =	rddreg [dreg:$0x2];
	[bflag:$0x3] =	sbarrier.arrive $0xFFFF;
	s2 =	simm.s32 @!p0 $0x1C01  }
0x157: {  	[timem:s3], [sflag:s2] =	dma.local @!p0 [hbm:s0], s1  }
0x158: {  	s0 =	simm.s32 @!p0 $0x1  }
0x159: {  	_ =	swait.ge @!p0 [sflag:s0], s1  }
0x15a: {  	s1 =	ssub.s32 @!p0 $0x0, s1;
	[sflag:s0] =	ssyncset.done @!p0 $0x0  }
0x15b: {  	[sflag:s0] =	ssyncadd.s32 @!p0 s1  }
0x15c: {  	[bflag:$0x3] =	sbarrier.arrive $0xFFFF  }
0x15d: {  	_ =	shalt  }

</sc_bundles>
